<compile_context>
chip_gen: v7x
topology: tpu7x:2x2x1
jax: 0.10.2.dev20260603
libtpu: 0.0.44.dev20260713+nightly
codegen_flags: <defaults>
</compile_context>

<pallas_src>
import functools

import jax
import jax.numpy as jnp
from jax import lax
from jax.experimental import pallas as pl
from jax.experimental.pallas import tpu as pltpu
from jax.experimental.pallas import tpu_sc as plsc

BATCH = 16384
EMB = 64
HID = 256

_NC = 2
_NS = 16
_NW = _NC * _NS
_ROWS_PER_W = BATCH // _NW
_G = 16
_HALF = _ROWS_PER_W // 2


def _gather_body(uid_hbm, iid_hbm, uemb_hbm, iemb_hbm, uout_hbm, iout_hbm,
                 idx_u, idx_i, buf_a, buf_b, s_ua, s_ub, s_ia, s_ib):
    wid = lax.axis_index("s") * _NC + lax.axis_index("c")
    base = wid * _ROWS_PER_W
    pltpu.sync_copy(uid_hbm.at[pl.ds(base, _ROWS_PER_W)], idx_u)
    pltpu.sync_copy(iid_hbm.at[pl.ds(base, _ROWS_PER_W)], idx_i)

    def issue(tab_hbm, idx_ref, lo, buf, sem):
        def body(g, carry):
            vec = idx_ref[pl.ds(lo + g * _G, _G)]
            for k in range(_G):
                r = vec[k]
                pltpu.async_copy(
                    tab_hbm.at[pl.ds(r, 1)],
                    buf.at[pl.ds(g * _G + k, 1)], sem)
            return carry
        lax.fori_loop(0, _HALF // _G, body, 0)

    def drain(sem, buf):
        pltpu.make_async_copy(uemb_hbm.at[pl.ds(0, _HALF)], buf, sem).wait()

    issue(uemb_hbm, idx_u, 0, buf_a, s_ua)
    issue(uemb_hbm, idx_u, _HALF, buf_b, s_ub)

    drain(s_ua, buf_a)
    pltpu.sync_copy(buf_a, uout_hbm.at[pl.ds(base, _HALF)])
    issue(iemb_hbm, idx_i, 0, buf_a, s_ia)

    drain(s_ub, buf_b)
    pltpu.sync_copy(buf_b, uout_hbm.at[pl.ds(base + _HALF, _HALF)])
    issue(iemb_hbm, idx_i, _HALF, buf_b, s_ib)

    drain(s_ia, buf_a)
    pltpu.sync_copy(buf_a, iout_hbm.at[pl.ds(base, _HALF)])
    drain(s_ib, buf_b)
    pltpu.sync_copy(buf_b, iout_hbm.at[pl.ds(base + _HALF, _HALF)])


def _sc_gather(user_id, item_id, user_emb, item_emb):
    mesh = plsc.VectorSubcoreMesh(core_axis_name="c", subcore_axis_name="s")
    out_type = (
        jax.ShapeDtypeStruct((BATCH, EMB), jnp.float32),
        jax.ShapeDtypeStruct((BATCH, EMB), jnp.float32),
    )
    scratch = [
        pltpu.VMEM((_ROWS_PER_W,), jnp.int32),
        pltpu.VMEM((_ROWS_PER_W,), jnp.int32),
        pltpu.VMEM((_HALF, EMB), jnp.float32),
        pltpu.VMEM((_HALF, EMB), jnp.float32),
        pltpu.SemaphoreType.DMA,
        pltpu.SemaphoreType.DMA,
        pltpu.SemaphoreType.DMA,
        pltpu.SemaphoreType.DMA,
    ]
    return pl.kernel(
        _gather_body, mesh=mesh, out_type=out_type, scratch_types=scratch,
        cost_estimate=pl.CostEstimate(
            flops=0, bytes_accessed=4 * BATCH * EMB * 4, transcendentals=0),
        name="ncf_sc_gather",
    )(user_id, item_id, user_emb, item_emb)


_BLK = 2048


def _mlp_body(u_ref, i_ref, w1u_ref, w1i_ref, b1_ref, w2_ref, b2_ref, o_ref):
    h = (jnp.dot(u_ref[...], w1u_ref[...], preferred_element_type=jnp.float32)
         + jnp.dot(i_ref[...], w1i_ref[...], preferred_element_type=jnp.float32)
         + b1_ref[...])
    h = jnp.maximum(h, 0.0)
    s = jnp.sum(h * w2_ref[...], axis=1, keepdims=True) + b2_ref[...]
    o_ref[...] = 1.0 / (1.0 + jnp.exp(-s))


def _tc_mlp(uvec, ivec, w1u, w1i, b1r, w2r, b2r):
    grid = (BATCH // _BLK,)
    return pl.pallas_call(
        _mlp_body,
        grid=grid,
        in_specs=[
            pl.BlockSpec((_BLK, EMB), lambda i: (i, 0)),
            pl.BlockSpec((_BLK, EMB), lambda i: (i, 0)),
            pl.BlockSpec((EMB, HID), lambda i: (0, 0)),
            pl.BlockSpec((EMB, HID), lambda i: (0, 0)),
            pl.BlockSpec((1, HID), lambda i: (0, 0)),
            pl.BlockSpec((1, HID), lambda i: (0, 0)),
            pl.BlockSpec((1, 1), lambda i: (0, 0)),
        ],
        out_specs=pl.BlockSpec((_BLK, 1), lambda i: (i, 0)),
        out_shape=jax.ShapeDtypeStruct((BATCH, 1), jnp.float32),
    )(uvec, ivec, w1u, w1i, b1r, w2r, b2r)


def kernel(user_id, item_id, user_emb, item_emb, W1, b1, W2, b2):
    uvec, ivec = _sc_gather(user_id.astype(jnp.int32),
                            item_id.astype(jnp.int32), user_emb, item_emb)
    w1u = W1[:EMB]
    w1i = W1[EMB:]
    b1r = b1.reshape(1, HID)
    w2r = W2.reshape(1, HID)
    b2r = b2.reshape(1, 1)
    return _tc_mlp(uvec, ivec, w1u, w1i, b1r, w2r, b2r)

# --- scband reference (transcript-rebuilt; emitter-appended) ---
"""Pipeline reference for scband-ncf-43714177139003 (READ-ONLY COPY).

The authoritative reference and input builder live on the scoring server;
editing this copy changes nothing except your own understanding.
"""

import jax, jax.numpy as jnp
import numpy as np

NUM_USERS = 1000000
NUM_ITEMS = 100000
EMB = 64
HID = 256
BATCH = 16384

def setup_inputs(seed: int = 0) -> dict:
    key = jax.random.key(seed)
    ks = jax.random.split(key, 8)
    user_id = jax.random.randint(ks[0], (BATCH,), 0, NUM_USERS, dtype=jnp.int64 if jax.config.jax_enable_x64 else jnp.int32)
    item_id = jax.random.randint(ks[1], (BATCH,), 0, NUM_ITEMS, dtype=jnp.int64 if jax.config.jax_enable_x64 else jnp.int32)
    user_emb = jax.random.normal(ks[2], (NUM_USERS, EMB), dtype=jnp.float32) * 0.02
    item_emb = jax.random.normal(ks[3], (NUM_ITEMS, EMB), dtype=jnp.float32) * 0.02
    W1 = jax.random.normal(ks[4], (2 * EMB, HID), dtype=jnp.float32) * (1.0 / np.sqrt(2 * EMB))
    b1 = jnp.zeros((HID,), dtype=jnp.float32)
    W2 = jax.random.normal(ks[5], (HID, 1), dtype=jnp.float32) * (1.0 / np.sqrt(HID))
    b2 = jnp.zeros((1,), dtype=jnp.float32)
    return {"user_id": user_id, "item_id": item_id, "user_emb": user_emb, "item_emb": item_emb, "W1": W1, "b1": b1, "W2": W2, "b2": b2}

def reference(user_id, item_id, user_emb, item_emb, W1, b1, W2, b2):
    # embedding lookups (SparseCore-style gathers)
    user_vec = jnp.take(user_emb, user_id, axis=0)
    item_vec = jnp.take(item_emb, item_id, axis=0)
    x = jnp.concatenate([user_vec, item_vec], axis=1)
    x = x @ W1 + b1
    x = jax.nn.relu(x)
    # dropout is identity in eval/inference mode
    x = x @ W2 + b2
    x = jax.nn.sigmoid(x)
    return x

if __name__ == "__main__":
    import jax
    _d = setup_inputs()
    print(jax.jit(kernel)(*tuple(_d.values())))

</pallas_src>

<mosaic_0001>
#map = affine_map<(d0, d1) -> (0)>
#map1 = affine_map<(d0, d1) -> (0, 0)>
module attributes {stable_mosaic.version = 14 : i64} {
  func.func @ncf_sc_gather(%arg0: i32, %arg1: i32, %arg2: memref<16384xi32, #tpu.memory_space<hbm>>, %arg3: memref<16384xi32, #tpu.memory_space<hbm>>, %arg4: memref<1000000x64xf32, #tpu.memory_space<hbm>>, %arg5: memref<100000x64xf32, #tpu.memory_space<hbm>>, %arg6: memref<16384x64xf32, #tpu.memory_space<hbm>>, %arg7: memref<16384x64xf32, #tpu.memory_space<hbm>>, %arg8: memref<512xi32, #tpu.memory_space<vmem>>, %arg9: memref<512xi32, #tpu.memory_space<vmem>>, %arg10: memref<256x64xf32, #tpu.memory_space<vmem>>, %arg11: memref<256x64xf32, #tpu.memory_space<vmem>>, %arg12: memref<!tpu.dma_semaphore, #tpu.memory_space<semaphore_mem>>, %arg13: memref<!tpu.dma_semaphore, #tpu.memory_space<semaphore_mem>>, %arg14: memref<!tpu.dma_semaphore, #tpu.memory_space<semaphore_mem>>, %arg15: memref<!tpu.dma_semaphore, #tpu.memory_space<semaphore_mem>>) attributes {dimension_semantics = [#tpu.dimension_semantics<core_parallel>, #tpu.dimension_semantics<subcore_parallel>], iteration_bounds = array<i64: 2, 16>, scalar_prefetch = 0 : i64, scratch_operands = 8 : i64, tpu.core_type = #tpu.core_type<sc_vector_subcore>, window_params = [{transform_indices = #map}, {transform_indices = #map}, {transform_indices = #map1}, {transform_indices = #map1}, {transform_indices = #map1}, {transform_indices = #map1}]} {
    %mul3A = arith.constant 2 : i32
    %mul3A_0 = arith.muli %arg1, %mul3A : i32
    %add3A = arith.addi %mul3A_0, %arg0 : i32
    %mul3A_1 = arith.constant 512 : i32
    %mul3A_2 = arith.muli %add3A, %mul3A_1 : i32
    "tpu.region"() ({
      %run_scoped3A = tpu.sem_alloc : memref<!tpu.dma_semaphore, #tpu.memory_space<semaphore_mem>>
      %dma_start3A = tpu.memref_slice %arg2[%mul3A_2] : memref<16384xi32, #tpu.memory_space<hbm>> -> memref<512xi32, #tpu.memory_space<hbm>>
      %dma_start3A_53 = tpu.memref_slice %arg2[%mul3A_2] : memref<16384xi32, #tpu.memory_space<hbm>> -> memref<512xi32, #tpu.memory_space<hbm>>
      tpu.enqueue_dma source(%dma_start3A_53 : memref<512xi32, #tpu.memory_space<hbm>>) target(%arg8 : memref<512xi32, #tpu.memory_space<vmem>>) target_semaphore(%run_scoped3A : memref<!tpu.dma_semaphore, #tpu.memory_space<semaphore_mem>>)
      %dma_wait3A_54 = tpu.memref_slice %arg2[%mul3A_2] : memref<16384xi32, #tpu.memory_space<hbm>> -> memref<512xi32, #tpu.memory_space<hbm>>
      %dma_wait3A_55 = tpu.memref_slice %arg2[%mul3A_2] : memref<16384xi32, #tpu.memory_space<hbm>> -> memref<512xi32, #tpu.memory_space<hbm>>
      tpu.wait_dma2 semaphore(%run_scoped3A : memref<!tpu.dma_semaphore, #tpu.memory_space<semaphore_mem>>) src(%dma_wait3A_55 : memref<512xi32, #tpu.memory_space<hbm>>) dst(%arg8 : memref<512xi32, #tpu.memory_space<vmem>>)
      tpu.yield
    }) : () -> ()
    "tpu.region"() ({
      %run_scoped3A = tpu.sem_alloc : memref<!tpu.dma_semaphore, #tpu.memory_space<semaphore_mem>>
      %dma_start3A = tpu.memref_slice %arg3[%mul3A_2] : memref<16384xi32, #tpu.memory_space<hbm>> -> memref<512xi32, #tpu.memory_space<hbm>>
      %dma_start3A_53 = tpu.memref_slice %arg3[%mul3A_2] : memref<16384xi32, #tpu.memory_space<hbm>> -> memref<512xi32, #tpu.memory_space<hbm>>
      tpu.enqueue_dma source(%dma_start3A_53 : memref<512xi32, #tpu.memory_space<hbm>>) target(%arg9 : memref<512xi32, #tpu.memory_space<vmem>>) target_semaphore(%run_scoped3A : memref<!tpu.dma_semaphore, #tpu.memory_space<semaphore_mem>>)
      %dma_wait3A_54 = tpu.memref_slice %arg3[%mul3A_2] : memref<16384xi32, #tpu.memory_space<hbm>> -> memref<512xi32, #tpu.memory_space<hbm>>
      %dma_wait3A_55 = tpu.memref_slice %arg3[%mul3A_2] : memref<16384xi32, #tpu.memory_space<hbm>> -> memref<512xi32, #tpu.memory_space<hbm>>
      tpu.wait_dma2 semaphore(%run_scoped3A : memref<!tpu.dma_semaphore, #tpu.memory_space<semaphore_mem>>) src(%dma_wait3A_55 : memref<512xi32, #tpu.memory_space<hbm>>) dst(%arg9 : memref<512xi32, #tpu.memory_space<vmem>>)
      tpu.yield
    }) : () -> ()
    %scan3A = arith.constant 0 : i32
    %scan3A_3 = arith.constant 0 : i32
    %scan3A_4 = arith.constant 16 : i32
    %scan3A_5 = arith.addi %scan3A_3, %scan3A_4 : i32
    %scan3A_6 = arith.constant 1 : i32
    scf.for %scan3A_53 = %scan3A_3 to %scan3A_5 step %scan3A_6  : i32 {
      %mul3A_54 = arith.constant 16 : i32
      %mul3A_55 = arith.muli %scan3A_53, %mul3A_54 : i32
      %add3A_56 = arith.constant 0 : i32
      %add3A_57 = arith.addi %add3A_56, %mul3A_55 : i32
      %get3A = arith.index_cast %add3A_57 : i32 to index
      %get3A_58 = tpu.vector_load %arg8[%get3A] {strides = array<i32>} : memref<512xi32, #tpu.memory_space<vmem>>, vector<16xi32>,
      %get3A_59 = vector.shape_cast %get3A_58 : vector<16xi32> to vector<16xi32>
      %slice3A = vector.extract_strided_slice %get3A_59 {offsets = [0], sizes = [1], strides = [1]} : vector<16xi32> to vector<1xi32>
      %squeeze3A = vector.extract %slice3A[0] : i32 from vector<1xi32>
      %mul3A_60 = arith.constant 16 : i32
      %mul3A_61 = arith.muli %scan3A_53, %mul3A_60 : i32
      %add3A_62 = arith.constant 0 : i32
      %add3A_63 = arith.addi %mul3A_61, %add3A_62 : i32
      %dma_start3A = arith.constant 0 : i32
      %dma_start3A_64 = tpu.memref_slice %arg10[%add3A_63, %dma_start3A] : memref<256x64xf32, #tpu.memory_space<vmem>> -> memref<1x64xf32, #tpu.memory_space<vmem>>
      %dma_start3A_65 = arith.constant 0 : i32
      %dma_start3A_66 = tpu.memref_slice %arg4[%squeeze3A, %dma_start3A_65] : memref<1000000x64xf32, #tpu.memory_space<hbm>> -> memref<1x64xf32, #tpu.memory_space<hbm>>
      %dma_start3A_67 = arith.constant 0 : i32
      %dma_start3A_68 = tpu.memref_slice %arg10[%add3A_63, %dma_start3A_67] : memref<256x64xf32, #tpu.memory_space<vmem>> -> memref<1x64xf32, #tpu.memory_space<vmem>>
      %dma_start3A_69 = arith.constant 0 : i32
      %dma_start3A_70 = tpu.memref_slice %arg4[%squeeze3A, %dma_start3A_69] : memref<1000000x64xf32, #tpu.memory_space<hbm>> -> memref<1x64xf32, #tpu.memory_space<hbm>>
      tpu.enqueue_dma source(%dma_start3A_70 : memref<1x64xf32, #tpu.memory_space<hbm>>) target(%dma_start3A_68 : memref<1x64xf32, #tpu.memory_space<vmem>>) target_semaphore(%arg12 : memref<!tpu.dma_semaphore, #tpu.memory_space<semaphore_mem>>)
      %slice3A_71 = vector.extract_strided_slice %get3A_59 {offsets = [1], sizes = [1], strides = [1]} : vector<16xi32> to vector<1xi32>
      %squeeze3A_72 = vector.extract %slice3A_71[0] : i32 from vector<1xi32>
      %mul3A_73 = arith.constant 16 : i32
      %mul3A_74 = arith.muli %scan3A_53, %mul3A_73 : i32
      %add3A_75 = arith.constant 1 : i32
      %add3A_76 = arith.addi %mul3A_74, %add3A_75 : i32
      %dma_start3A_77 = arith.constant 0 : i32
      %dma_start3A_78 = tpu.memref_slice %arg10[%add3A_76, %dma_start3A_77] : memref<256x64xf32, #tpu.memory_space<vmem>> -> memref<1x64xf32, #tpu.memory_space<vmem>>
      %dma_start3A_79 = arith.constant 0 : i32
      %dma_start3A_80 = tpu.memref_slice %arg4[%squeeze3A_72, %dma_start3A_79] : memref<1000000x64xf32, #tpu.memory_space<hbm>> -> memref<1x64xf32, #tpu.memory_space<hbm>>
      %dma_start3A_81 = arith.constant 0 : i32
      %dma_start3A_82 = tpu.memref_slice %arg10[%add3A_76, %dma_start3A_81] : memref<256x64xf32, #tpu.memory_space<vmem>> -> memref<1x64xf32, #tpu.memory_space<vmem>>
      %dma_start3A_83 = arith.constant 0 : i32
      %dma_start3A_84 = tpu.memref_slice %arg4[%squeeze3A_72, %dma_start3A_83] : memref<1000000x64xf32, #tpu.memory_space<hbm>> -> memref<1x64xf32, #tpu.memory_space<hbm>>
      tpu.enqueue_dma source(%dma_start3A_84 : memref<1x64xf32, #tpu.memory_space<hbm>>) target(%dma_start3A_82 : memref<1x64xf32, #tpu.memory_space<vmem>>) target_semaphore(%arg12 : memref<!tpu.dma_semaphore, #tpu.memory_space<semaphore_mem>>)
      %slice3A_85 = vector.extract_strided_slice %get3A_59 {offsets = [2], sizes = [1], strides = [1]} : vector<16xi32> to vector<1xi32>
      %squeeze3A_86 = vector.extract %slice3A_85[0] : i32 from vector<1xi32>
      %mul3A_87 = arith.constant 16 : i32
      %mul3A_88 = arith.muli %scan3A_53, %mul3A_87 : i32
      %add3A_89 = arith.constant 2 : i32
      %add3A_90 = arith.addi %mul3A_88, %add3A_89 : i32
      %dma_start3A_91 = arith.constant 0 : i32
      %dma_start3A_92 = tpu.memref_slice %arg10[%add3A_90, %dma_start3A_91] : memref<256x64xf32, #tpu.memory_space<vmem>> -> memref<1x64xf32, #tpu.memory_space<vmem>>
      %dma_start3A_93 = arith.constant 0 : i32
      %dma_start3A_94 = tpu.memref_slice %arg4[%squeeze3A_86, %dma_start3A_93] : memref<1000000x64xf32, #tpu.memory_space<hbm>> -> memref<1x64xf32, #tpu.memory_space<hbm>>
      %dma_start3A_95 = arith.constant 0 : i32
      %dma_start3A_96 = tpu.memref_slice %arg10[%add3A_90, %dma_start3A_95] : memref<256x64xf32, #tpu.memory_space<vmem>> -> memref<1x64xf32, #tpu.memory_space<vmem>>
      %dma_start3A_97 = arith.constant 0 : i32
      %dma_start3A_98 = tpu.memref_slice %arg4[%squeeze3A_86, %dma_start3A_97] : memref<1000000x64xf32, #tpu.memory_space<hbm>> -> memref<1x64xf32, #tpu.memory_space<hbm>>
      tpu.enqueue_dma source(%dma_start3A_98 : memref<1x64xf32, #tpu.memory_space<hbm>>) target(%dma_start3A_96 : memref<1x64xf32, #tpu.memory_space<vmem>>) target_semaphore(%arg12 : memref<!tpu.dma_semaphore, #tpu.memory_space<semaphore_mem>>)
      %slice3A_99 = vector.extract_strided_slice %get3A_59 {offsets = [3], sizes = [1], strides = [1]} : vector<16xi32> to vector<1xi32>
      %squeeze3A_100 = vector.extract %slice3A_99[0] : i32 from vector<1xi32>
      %mul3A_101 = arith.constant 16 : i32
      %mul3A_102 = arith.muli %scan3A_53, %mul3A_101 : i32
      %add3A_103 = arith.constant 3 : i32
      %add3A_104 = arith.addi %mul3A_102, %add3A_103 : i32
      %dma_start3A_105 = arith.constant 0 : i32
      %dma_start3A_106 = tpu.memref_slice %arg10[%add3A_104, %dma_start3A_105] : memref<256x64xf32, #tpu.memory_space<vmem>> -> memref<1x64xf32, #tpu.memory_space<vmem>>
      %dma_start3A_107 = arith.constant 0 : i32
      %dma_start3A_108 = tpu.memref_slice %arg4[%squeeze3A_100, %dma_start3A_107] : memref<1000000x64xf32, #tpu.memory_space<hbm>> -> memref<1x64xf32, #tpu.memory_space<hbm>>
      %dma_start3A_109 = arith.constant 0 : i32
      %dma_start3A_110 = tpu.memref_slice %arg10[%add3A_104, %dma_start3A_109] : memref<256x64xf32, #tpu.memory_space<vmem>> -> memref<1x64xf32, #tpu.memory_space<vmem>>
      %dma_start3A_111 = arith.constant 0 : i32
      %dma_start3A_112 = tpu.memref_slice %arg4[%squeeze3A_100, %dma_start3A_111] : memref<1000000x64xf32, #tpu.memory_space<hbm>> -> memref<1x64xf32, #tpu.memory_space<hbm>>
      tpu.enqueue_dma source(%dma_start3A_112 : memref<1x64xf32, #tpu.memory_space<hbm>>) target(%dma_start3A_110 : memref<1x64xf32, #tpu.memory_space<vmem>>) target_semaphore(%arg12 : memref<!tpu.dma_semaphore, #tpu.memory_space<semaphore_mem>>)
      %slice3A_113 = vector.extract_strided_slice %get3A_59 {offsets = [4], sizes = [1], strides = [1]} : vector<16xi32> to vector<1xi32>
      %squeeze3A_114 = vector.extract %slice3A_113[0] : i32 from vector<1xi32>
      %mul3A_115 = arith.constant 16 : i32
      %mul3A_116 = arith.muli %scan3A_53, %mul3A_115 : i32
      %add3A_117 = arith.constant 4 : i32
      %add3A_118 = arith.addi %mul3A_116, %add3A_117 : i32
      %dma_start3A_119 = arith.constant 0 : i32
      %dma_start3A_120 = tpu.memref_slice %arg10[%add3A_118, %dma_start3A_119] : memref<256x64xf32, #tpu.memory_space<vmem>> -> memref<1x64xf32, #tpu.memory_space<vmem>>
      %dma_start3A_121 = arith.constant 0 : i32
      %dma_start3A_122 = tpu.memref_slice %arg4[%squeeze3A_114, %dma_start3A_121] : memref<1000000x64xf32, #tpu.memory_space<hbm>> -> memref<1x64xf32, #tpu.memory_space<hbm>>
      %dma_start3A_123 = arith.constant 0 : i32
      %dma_start3A_124 = tpu.memref_slice %arg10[%add3A_118, %dma_start3A_123] : memref<256x64xf32, #tpu.memory_space<vmem>> -> memref<1x64xf32, #tpu.memory_space<vmem>>
      %dma_start3A_125 = arith.constant 0 : i32
      %dma_start3A_126 = tpu.memref_slice %arg4[%squeeze3A_114, %dma_start3A_125] : memref<1000000x64xf32, #tpu.memory_space<hbm>> -> memref<1x64xf32, #tpu.memory_space<hbm>>
      tpu.enqueue_dma source(%dma_start3A_126 : memref<1x64xf32, #tpu.memory_space<hbm>>) target(%dma_start3A_124 : memref<1x64xf32, #tpu.memory_space<vmem>>) target_semaphore(%arg12 : memref<!tpu.dma_semaphore, #tpu.memory_space<semaphore_mem>>)
      %slice3A_127 = vector.extract_strided_slice %get3A_59 {offsets = [5], sizes = [1], strides = [1]} : vector<16xi32> to vector<1xi32>
      %squeeze3A_128 = vector.extract %slice3A_127[0] : i32 from vector<1xi32>
      %mul3A_129 = arith.constant 16 : i32
      %mul3A_130 = arith.muli %scan3A_53, %mul3A_129 : i32
      %add3A_131 = arith.constant 5 : i32
      %add3A_132 = arith.addi %mul3A_130, %add3A_131 : i32
      %dma_start3A_133 = arith.constant 0 : i32
      %dma_start3A_134 = tpu.memref_slice %arg10[%add3A_132, %dma_start3A_133] : memref<256x64xf32, #tpu.memory_space<vmem>> -> memref<1x64xf32, #tpu.memory_space<vmem>>
      %dma_start3A_135 = arith.constant 0 : i32
      %dma_start3A_136 = tpu.memref_slice %arg4[%squeeze3A_128, %dma_start3A_135] : memref<1000000x64xf32, #tpu.memory_space<hbm>> -> memref<1x64xf32, #tpu.memory_space<hbm>>
      %dma_start3A_137 = arith.constant 0 : i32
      %dma_start3A_138 = tpu.memref_slice %arg10[%add3A_132, %dma_start3A_137] : memref<256x64xf32, #tpu.memory_space<vmem>> -> memref<1x64xf32, #tpu.memory_space<vmem>>
      %dma_start3A_139 = arith.constant 0 : i32
      %dma_start3A_140 = tpu.memref_slice %arg4[%squeeze3A_128, %dma_start3A_139] : memref<1000000x64xf32, #tpu.memory_space<hbm>> -> memref<1x64xf32, #tpu.memory_space<hbm>>
      tpu.enqueue_dma source(%dma_start3A_140 : memref<1x64xf32, #tpu.memory_space<hbm>>) target(%dma_start3A_138 : memref<1x64xf32, #tpu.memory_space<vmem>>) target_semaphore(%arg12 : memref<!tpu.dma_semaphore, #tpu.memory_space<semaphore_mem>>)
      %slice3A_141 = vector.extract_strided_slice %get3A_59 {offsets = [6], sizes = [1], strides = [1]} : vector<16xi32> to vector<1xi32>
      %squeeze3A_142 = vector.extract %slice3A_141[0] : i32 from vector<1xi32>
      %mul3A_143 = arith.constant 16 : i32
      %mul3A_144 = arith.muli %scan3A_53, %mul3A_143 : i32
      %add3A_145 = arith.constant 6 : i32
      %add3A_146 = arith.addi %mul3A_144, %add3A_145 : i32
      %dma_start3A_147 = arith.constant 0 : i32
      %dma_start3A_148 = tpu.memref_slice %arg10[%add3A_146, %dma_start3A_147] : memref<256x64xf32, #tpu.memory_space<vmem>> -> memref<1x64xf32, #tpu.memory_space<vmem>>
      %dma_start3A_149 = arith.constant 0 : i32
      %dma_start3A_150 = tpu.memref_slice %arg4[%squeeze3A_142, %dma_start3A_149] : memref<1000000x64xf32, #tpu.memory_space<hbm>> -> memref<1x64xf32, #tpu.memory_space<hbm>>
      %dma_start3A_151 = arith.constant 0 : i32
      %dma_start3A_152 = tpu.memref_slice %arg10[%add3A_146, %dma_start3A_151] : memref<256x64xf32, #tpu.memory_space<vmem>> -> memref<1x64xf32, #tpu.memory_space<vmem>>
      %dma_start3A_153 = arith.constant 0 : i32
      %dma_start3A_154 = tpu.memref_slice %arg4[%squeeze3A_142, %dma_start3A_153] : memref<1000000x64xf32, #tpu.memory_space<hbm>> -> memref<1x64xf32, #tpu.memory_space<hbm>>
      tpu.enqueue_dma source(%dma_start3A_154 : memref<1x64xf32, #tpu.memory_space<hbm>>) target(%dma_start3A_152 : memref<1x64xf32, #tpu.memory_space<vmem>>) target_semaphore(%arg12 : memref<!tpu.dma_semaphore, #tpu.memory_space<semaphore_mem>>)
      %slice3A_155 = vector.extract_strided_slice %get3A_59 {offsets = [7], sizes = [1], strides = [1]} : vector<16xi32> to vector<1xi32>
      %squeeze3A_156 = vector.extract %slice3A_155[0] : i32 from vector<1xi32>
      %mul3A_157 = arith.constant 16 : i32
      %mul3A_158 = arith.muli %scan3A_53, %mul3A_157 : i32
      %add3A_159 = arith.constant 7 : i32
      %add3A_160 = arith.addi %mul3A_158, %add3A_159 : i32
      %dma_start3A_161 = arith.constant 0 : i32
      %dma_start3A_162 = tpu.memref_slice %arg10[%add3A_160, %dma_start3A_161] : memref<256x64xf32, #tpu.memory_space<vmem>> -> memref<1x64xf32, #tpu.memory_space<vmem>>
      %dma_start3A_163 = arith.constant 0 : i32
      %dma_start3A_164 = tpu.memref_slice %arg4[%squeeze3A_156, %dma_start3A_163] : memref<1000000x64xf32, #tpu.memory_space<hbm>> -> memref<1x64xf32, #tpu.memory_space<hbm>>
      %dma_start3A_165 = arith.constant 0 : i32
      %dma_start3A_166 = tpu.memref_slice %arg10[%add3A_160, %dma_start3A_165] : memref<256x64xf32, #tpu.memory_space<vmem>> -> memref<1x64xf32, #tpu.memory_space<vmem>>
      %dma_start3A_167 = arith.constant 0 : i32
      %dma_start3A_168 = tpu.memref_slice %arg4[%squeeze3A_156, %dma_start3A_167] : memref<1000000x64xf32, #tpu.memory_space<hbm>> -> memref<1x64xf32, #tpu.memory_space<hbm>>
      tpu.enqueue_dma source(%dma_start3A_168 : memref<1x64xf32, #tpu.memory_space<hbm>>) target(%dma_start3A_166 : memref<1x64xf32, #tpu.memory_space<vmem>>) target_semaphore(%arg12 : memref<!tpu.dma_semaphore, #tpu.memory_space<semaphore_mem>>)
      %slice3A_169 = vector.extract_strided_slice %get3A_59 {offsets = [8], sizes = [1], strides = [1]} : vector<16xi32> to vector<1xi32>
      %squeeze3A_170 = vector.extract %slice3A_169[0] : i32 from vector<1xi32>
      %mul3A_171 = arith.constant 16 : i32
      %mul3A_172 = arith.muli %scan3A_53, %mul3A_171 : i32
      %add3A_173 = arith.constant 8 : i32
      %add3A_174 = arith.addi %mul3A_172, %add3A_173 : i32
      %dma_start3A_175 = arith.constant 0 : i32
      %dma_start3A_176 = tpu.memref_slice %arg10[%add3A_174, %dma_start3A_175] : memref<256x64xf32, #tpu.memory_space<vmem>> -> memref<1x64xf32, #tpu.memory_space<vmem>>
      %dma_start3A_177 = arith.constant 0 : i32
      %dma_start3A_178 = tpu.memref_slice %arg4[%squeeze3A_170, %dma_start3A_177] : memref<1000000x64xf32, #tpu.memory_space<hbm>> -> memref<1x64xf32, #tpu.memory_space<hbm>>
      %dma_start3A_179 = arith.constant 0 : i32
      %dma_start3A_180 = tpu.memref_slice %arg10[%add3A_174, %dma_start3A_179] : memref<256x64xf32, #tpu.memory_space<vmem>> -> memref<1x64xf32, #tpu.memory_space<vmem>>
      %dma_start3A_181 = arith.constant 0 : i32
      %dma_start3A_182 = tpu.memref_slice %arg4[%squeeze3A_170, %dma_start3A_181] : memref<1000000x64xf32, #tpu.memory_space<hbm>> -> memref<1x64xf32, #tpu.memory_space<hbm>>
      tpu.enqueue_dma source(%dma_start3A_182 : memref<1x64xf32, #tpu.memory_space<hbm>>) target(%dma_start3A_180 : memref<1x64xf32, #tpu.memory_space<vmem>>) target_semaphore(%arg12 : memref<!tpu.dma_semaphore, #tpu.memory_space<semaphore_mem>>)
      %slice3A_183 = vector.extract_strided_slice %get3A_59 {offsets = [9], sizes = [1], strides = [1]} : vector<16xi32> to vector<1xi32>
      %squeeze3A_184 = vector.extract %slice3A_183[0] : i32 from vector<1xi32>
      %mul3A_185 = arith.constant 16 : i32
      %mul3A_186 = arith.muli %scan3A_53, %mul3A_185 : i32
      %add3A_187 = arith.constant 9 : i32
      %add3A_188 = arith.addi %mul3A_186, %add3A_187 : i32
      %dma_start3A_189 = arith.constant 0 : i32
      %dma_start3A_190 = tpu.memref_slice %arg10[%add3A_188, %dma_start3A_189] : memref<256x64xf32, #tpu.memory_space<vmem>> -> memref<1x64xf32, #tpu.memory_space<vmem>>
      %dma_start3A_191 = arith.constant 0 : i32
      %dma_start3A_192 = tpu.memref_slice %arg4[%squeeze3A_184, %dma_start3A_191] : memref<1000000x64xf32, #tpu.memory_space<hbm>> -> memref<1x64xf32, #tpu.memory_space<hbm>>
      %dma_start3A_193 = arith.constant 0 : i32
      %dma_start3A_194 = tpu.memref_slice %arg10[%add3A_188, %dma_start3A_193] : memref<256x64xf32, #tpu.memory_space<vmem>> -> memref<1x64xf32, #tpu.memory_space<vmem>>
      %dma_start3A_195 = arith.constant 0 : i32
      %dma_start3A_196 = tpu.memref_slice %arg4[%squeeze3A_184, %dma_start3A_195] : memref<1000000x64xf32, #tpu.memory_space<hbm>> -> memref<1x64xf32, #tpu.memory_space<hbm>>
      tpu.enqueue_dma source(%dma_start3A_196 : memref<1x64xf32, #tpu.memory_space<hbm>>) target(%dma_start3A_194 : memref<1x64xf32, #tpu.memory_space<vmem>>) target_semaphore(%arg12 : memref<!tpu.dma_semaphore, #tpu.memory_space<semaphore_mem>>)
      %slice3A_197 = vector.extract_strided_slice %get3A_59 {offsets = [10], sizes = [1], strides = [1]} : vector<16xi32> to vector<1xi32>
      %squeeze3A_198 = vector.extract %slice3A_197[0] : i32 from vector<1xi32>
      %mul3A_199 = arith.constant 16 : i32
      %mul3A_200 = arith.muli %scan3A_53, %mul3A_199 : i32
      %add3A_201 = arith.constant 10 : i32
      %add3A_202 = arith.addi %mul3A_200, %add3A_201 : i32
      %dma_start3A_203 = arith.constant 0 : i32
      %dma_start3A_204 = tpu.memref_slice %arg10[%add3A_202, %dma_start3A_203] : memref<256x64xf32, #tpu.memory_space<vmem>> -> memref<1x64xf32, #tpu.memory_space<vmem>>
      %dma_start3A_205 = arith.constant 0 : i32
      %dma_start3A_206 = tpu.memref_slice %arg4[%squeeze3A_198, %dma_start3A_205] : memref<1000000x64xf32, #tpu.memory_space<hbm>> -> memref<1x64xf32, #tpu.memory_space<hbm>>
      %dma_start3A_207 = arith.constant 0 : i32
      %dma_start3A_208 = tpu.memref_slice %arg10[%add3A_202, %dma_start3A_207] : memref<256x64xf32, #tpu.memory_space<vmem>> -> memref<1x64xf32, #tpu.memory_space<vmem>>
      %dma_start3A_209 = arith.constant 0 : i32
      %dma_start3A_210 = tpu.memref_slice %arg4[%squeeze3A_198, %dma_start3A_209] : memref<1000000x64xf32, #tpu.memory_space<hbm>> -> memref<1x64xf32, #tpu.memory_space<hbm>>
      tpu.enqueue_dma source(%dma_start3A_210 : memref<1x64xf32, #tpu.memory_space<hbm>>) target(%dma_start3A_208 : memref<1x64xf32, #tpu.memory_space<vmem>>) target_semaphore(%arg12 : memref<!tpu.dma_semaphore, #tpu.memory_space<semaphore_mem>>)
      %slice3A_211 = vector.extract_strided_slice %get3A_59 {offsets = [11], sizes = [1], strides = [1]} : vector<16xi32> to vector<1xi32>
      %squeeze3A_212 = vector.extract %slice3A_211[0] : i32 from vector<1xi32>
      %mul3A_213 = arith.constant 16 : i32
      %mul3A_214 = arith.muli %scan3A_53, %mul3A_213 : i32
      %add3A_215 = arith.constant 11 : i32
      %add3A_216 = arith.addi %mul3A_214, %add3A_215 : i32
      %dma_start3A_217 = arith.constant 0 : i32
      %dma_start3A_218 = tpu.memref_slice %arg10[%add3A_216, %dma_start3A_217] : memref<256x64xf32, #tpu.memory_space<vmem>> -> memref<1x64xf32, #tpu.memory_space<vmem>>
      %dma_start3A_219 = arith.constant 0 : i32
      %dma_start3A_220 = tpu.memref_slice %arg4[%squeeze3A_212, %dma_start3A_219] : memref<1000000x64xf32, #tpu.memory_space<hbm>> -> memref<1x64xf32, #tpu.memory_space<hbm>>
      %dma_start3A_221 = arith.constant 0 : i32
      %dma_start3A_222 = tpu.memref_slice %arg10[%add3A_216, %dma_start3A_221] : memref<256x64xf32, #tpu.memory_space<vmem>> -> memref<1x64xf32, #tpu.memory_space<vmem>>
      %dma_start3A_223 = arith.constant 0 : i32
      %dma_start3A_224 = tpu.memref_slice %arg4[%squeeze3A_212, %dma_start3A_223] : memref<1000000x64xf32, #tpu.memory_space<hbm>> -> memref<1x64xf32, #tpu.memory_space<hbm>>
      tpu.enqueue_dma source(%dma_start3A_224 : memref<1x64xf32, #tpu.memory_space<hbm>>) target(%dma_start3A_222 : memref<1x64xf32, #tpu.memory_space<vmem>>) target_semaphore(%arg12 : memref<!tpu.dma_semaphore, #tpu.memory_space<semaphore_mem>>)
      %slice3A_225 = vector.extract_strided_slice %get3A_59 {offsets = [12], sizes = [1], strides = [1]} : vector<16xi32> to vector<1xi32>
      %squeeze3A_226 = vector.extract %slice3A_225[0] : i32 from vector<1xi32>
      %mul3A_227 = arith.constant 16 : i32
      %mul3A_228 = arith.muli %scan3A_53, %mul3A_227 : i32
      %add3A_229 = arith.constant 12 : i32
      %add3A_230 = arith.addi %mul3A_228, %add3A_229 : i32
      %dma_start3A_231 = arith.constant 0 : i32
      %dma_start3A_232 = tpu.memref_slice %arg10[%add3A_230, %dma_start3A_231] : memref<256x64xf32, #tpu.memory_space<vmem>> -> memref<1x64xf32, #tpu.memory_space<vmem>>
      %dma_start3A_233 = arith.constant 0 : i32
      %dma_start3A_234 = tpu.memref_slice %arg4[%squeeze3A_226, %dma_start3A_233] : memref<1000000x64xf32, #tpu.memory_space<hbm>> -> memref<1x64xf32, #tpu.memory_space<hbm>>
      %dma_start3A_235 = arith.constant 0 : i32
      %dma_start3A_236 = tpu.memref_slice %arg10[%add3A_230, %dma_start3A_235] : memref<256x64xf32, #tpu.memory_space<vmem>> -> memref<1x64xf32, #tpu.memory_space<vmem>>
      %dma_start3A_237 = arith.constant 0 : i32
      %dma_start3A_238 = tpu.memref_slice %arg4[%squeeze3A_226, %dma_start3A_237] : memref<1000000x64xf32, #tpu.memory_space<hbm>> -> memref<1x64xf32, #tpu.memory_space<hbm>>
      tpu.enqueue_dma source(%dma_start3A_238 : memref<1x64xf32, #tpu.memory_space<hbm>>) target(%dma_start3A_236 : memref<1x64xf32, #tpu.memory_space<vmem>>) target_semaphore(%arg12 : memref<!tpu.dma_semaphore, #tpu.memory_space<semaphore_mem>>)
      %slice3A_239 = vector.extract_strided_slice %get3A_59 {offsets = [13], sizes = [1], strides = [1]} : vector<16xi32> to vector<1xi32>
      %squeeze3A_240 = vector.extract %slice3A_239[0] : i32 from vector<1xi32>
      %mul3A_241 = arith.constant 16 : i32
      %mul3A_242 = arith.muli %scan3A_53, %mul3A_241 : i32
      %add3A_243 = arith.constant 13 : i32
      %add3A_244 = arith.addi %mul3A_242, %add3A_243 : i32
      %dma_start3A_245 = arith.constant 0 : i32
      %dma_start3A_246 = tpu.memref_slice %arg10[%add3A_244, %dma_start3A_245] : memref<256x64xf32, #tpu.memory_space<vmem>> -> memref<1x64xf32, #tpu.memory_space<vmem>>
      %dma_start3A_247 = arith.constant 0 : i32
      %dma_start3A_248 = tpu.memref_slice %arg4[%squeeze3A_240, %dma_start3A_247] : memref<1000000x64xf32, #tpu.memory_space<hbm>> -> memref<1x64xf32, #tpu.memory_space<hbm>>
      %dma_start3A_249 = arith.constant 0 : i32
      %dma_start3A_250 = tpu.memref_slice %arg10[%add3A_244, %dma_start3A_249] : memref<256x64xf32, #tpu.memory_space<vmem>> -> memref<1x64xf32, #tpu.memory_space<vmem>>
      %dma_start3A_251 = arith.constant 0 : i32
      %dma_start3A_252 = tpu.memref_slice %arg4[%squeeze3A_240, %dma_start3A_251] : memref<1000000x64xf32, #tpu.memory_space<hbm>> -> memref<1x64xf32, #tpu.memory_space<hbm>>
      tpu.enqueue_dma source(%dma_start3A_252 : memref<1x64xf32, #tpu.memory_space<hbm>>) target(%dma_start3A_250 : memref<1x64xf32, #tpu.memory_space<vmem>>) target_semaphore(%arg12 : memref<!tpu.dma_semaphore, #tpu.memory_space<semaphore_mem>>)
      %slice3A_253 = vector.extract_strided_slice %get3A_59 {offsets = [14], sizes = [1], strides = [1]} : vector<16xi32> to vector<1xi32>
      %squeeze3A_254 = vector.extract %slice3A_253[0] : i32 from vector<1xi32>
      %mul3A_255 = arith.constant 16 : i32
      %mul3A_256 = arith.muli %scan3A_53, %mul3A_255 : i32
      %add3A_257 = arith.constant 14 : i32
      %add3A_258 = arith.addi %mul3A_256, %add3A_257 : i32
      %dma_start3A_259 = arith.constant 0 : i32
      %dma_start3A_260 = tpu.memref_slice %arg10[%add3A_258, %dma_start3A_259] : memref<256x64xf32, #tpu.memory_space<vmem>> -> memref<1x64xf32, #tpu.memory_space<vmem>>
      %dma_start3A_261 = arith.constant 0 : i32
      %dma_start3A_262 = tpu.memref_slice %arg4[%squeeze3A_254, %dma_start3A_261] : memref<1000000x64xf32, #tpu.memory_space<hbm>> -> memref<1x64xf32, #tpu.memory_space<hbm>>
      %dma_start3A_263 = arith.constant 0 : i32
      %dma_start3A_264 = tpu.memref_slice %arg10[%add3A_258, %dma_start3A_263] : memref<256x64xf32, #tpu.memory_space<vmem>> -> memref<1x64xf32, #tpu.memory_space<vmem>>
      %dma_start3A_265 = arith.constant 0 : i32
      %dma_start3A_266 = tpu.memref_slice %arg4[%squeeze3A_254, %dma_start3A_265] : memref<1000000x64xf32, #tpu.memory_space<hbm>> -> memref<1x64xf32, #tpu.memory_space<hbm>>
      tpu.enqueue_dma source(%dma_start3A_266 : memref<1x64xf32, #tpu.memory_space<hbm>>) target(%dma_start3A_264 : memref<1x64xf32, #tpu.memory_space<vmem>>) target_semaphore(%arg12 : memref<!tpu.dma_semaphore, #tpu.memory_space<semaphore_mem>>)
      %slice3A_267 = vector.extract_strided_slice %get3A_59 {offsets = [15], sizes = [1], strides = [1]} : vector<16xi32> to vector<1xi32>
      %squeeze3A_268 = vector.extract %slice3A_267[0] : i32 from vector<1xi32>
      %mul3A_269 = arith.constant 16 : i32
      %mul3A_270 = arith.muli %scan3A_53, %mul3A_269 : i32
      %add3A_271 = arith.constant 15 : i32
      %add3A_272 = arith.addi %mul3A_270, %add3A_271 : i32
      %dma_start3A_273 = arith.constant 0 : i32
      %dma_start3A_274 = tpu.memref_slice %arg10[%add3A_272, %dma_start3A_273] : memref<256x64xf32, #tpu.memory_space<vmem>> -> memref<1x64xf32, #tpu.memory_space<vmem>>
      %dma_start3A_275 = arith.constant 0 : i32
      %dma_start3A_276 = tpu.memref_slice %arg4[%squeeze3A_268, %dma_start3A_275] : memref<1000000x64xf32, #tpu.memory_space<hbm>> -> memref<1x64xf32, #tpu.memory_space<hbm>>
      %dma_start3A_277 = arith.constant 0 : i32
      %dma_start3A_278 = tpu.memref_slice %arg10[%add3A_272, %dma_start3A_277] : memref<256x64xf32, #tpu.memory_space<vmem>> -> memref<1x64xf32, #tpu.memory_space<vmem>>
      %dma_start3A_279 = arith.constant 0 : i32
      %dma_start3A_280 = tpu.memref_slice %arg4[%squeeze3A_268, %dma_start3A_279] : memref<1000000x64xf32, #tpu.memory_space<hbm>> -> memref<1x64xf32, #tpu.memory_space<hbm>>
      tpu.enqueue_dma source(%dma_start3A_280 : memref<1x64xf32, #tpu.memory_space<hbm>>) target(%dma_start3A_278 : memref<1x64xf32, #tpu.memory_space<vmem>>) target_semaphore(%arg12 : memref<!tpu.dma_semaphore, #tpu.memory_space<semaphore_mem>>)
    }
    %scan3A_7 = arith.constant 16 : i32
    %scan3A_8 = arith.constant 0 : i32
    %scan3A_9 = arith.constant 0 : i32
    %scan3A_10 = arith.constant 16 : i32
    %scan3A_11 = arith.addi %scan3A_9, %scan3A_10 : i32
    %scan3A_12 = arith.constant 1 : i32
    scf.for %scan3A_53 = %scan3A_9 to %scan3A_11 step %scan3A_12  : i32 {
      %mul3A_54 = arith.constant 16 : i32
      %mul3A_55 = arith.muli %scan3A_53, %mul3A_54 : i32
      %add3A_56 = arith.constant 256 : i32
      %add3A_57 = arith.addi %add3A_56, %mul3A_55 : i32
      %get3A = arith.index_cast %add3A_57 : i32 to index
      %get3A_58 = tpu.vector_load %arg8[%get3A] {strides = array<i32>} : memref<512xi32, #tpu.memory_space<vmem>>, vector<16xi32>,
      %get3A_59 = vector.shape_cast %get3A_58 : vector<16xi32> to vector<16xi32>
      %slice3A = vector.extract_strided_slice %get3A_59 {offsets = [0], sizes = [1], strides = [1]} : vector<16xi32> to vector<1xi32>
      %squeeze3A = vector.extract %slice3A[0] : i32 from vector<1xi32>
      %mul3A_60 = arith.constant 16 : i32
      %mul3A_61 = arith.muli %scan3A_53, %mul3A_60 : i32
      %add3A_62 = arith.constant 0 : i32
      %add3A_63 = arith.addi %mul3A_61, %add3A_62 : i32
      %dma_start3A = arith.constant 0 : i32
      %dma_start3A_64 = tpu.memref_slice %arg11[%add3A_63, %dma_start3A] : memref<256x64xf32, #tpu.memory_space<vmem>> -> memref<1x64xf32, #tpu.memory_space<vmem>>
      %dma_start3A_65 = arith.constant 0 : i32
      %dma_start3A_66 = tpu.memref_slice %arg4[%squeeze3A, %dma_start3A_65] : memref<1000000x64xf32, #tpu.memory_space<hbm>> -> memref<1x64xf32, #tpu.memory_space<hbm>>
      %dma_start3A_67 = arith.constant 0 : i32
      %dma_start3A_68 = tpu.memref_slice %arg11[%add3A_63, %dma_start3A_67] : memref<256x64xf32, #tpu.memory_space<vmem>> -> memref<1x64xf32, #tpu.memory_space<vmem>>
      %dma_start3A_69 = arith.constant 0 : i32
      %dma_start3A_70 = tpu.memref_slice %arg4[%squeeze3A, %dma_start3A_69] : memref<1000000x64xf32, #tpu.memory_space<hbm>> -> memref<1x64xf32, #tpu.memory_space<hbm>>
      tpu.enqueue_dma source(%dma_start3A_70 : memref<1x64xf32, #tpu.memory_space<hbm>>) target(%dma_start3A_68 : memref<1x64xf32, #tpu.memory_space<vmem>>) target_semaphore(%arg13 : memref<!tpu.dma_semaphore, #tpu.memory_space<semaphore_mem>>)
      %slice3A_71 = vector.extract_strided_slice %get3A_59 {offsets = [1], sizes = [1], strides = [1]} : vector<16xi32> to vector<1xi32>
      %squeeze3A_72 = vector.extract %slice3A_71[0] : i32 from vector<1xi32>
      %mul3A_73 = arith.constant 16 : i32
      %mul3A_74 = arith.muli %scan3A_53, %mul3A_73 : i32
      %add3A_75 = arith.constant 1 : i32
      %add3A_76 = arith.addi %mul3A_74, %add3A_75 : i32
      %dma_start3A_77 = arith.constant 0 : i32
      %dma_start3A_78 = tpu.memref_slice %arg11[%add3A_76, %dma_start3A_77] : memref<256x64xf32, #tpu.memory_space<vmem>> -> memref<1x64xf32, #tpu.memory_space<vmem>>
      %dma_start3A_79 = arith.constant 0 : i32
      %dma_start3A_80 = tpu.memref_slice %arg4[%squeeze3A_72, %dma_start3A_79] : memref<1000000x64xf32, #tpu.memory_space<hbm>> -> memref<1x64xf32, #tpu.memory_space<hbm>>
      %dma_start3A_81 = arith.constant 0 : i32
      %dma_start3A_82 = tpu.memref_slice %arg11[%add3A_76, %dma_start3A_81] : memref<256x64xf32, #tpu.memory_space<vmem>> -> memref<1x64xf32, #tpu.memory_space<vmem>>
      %dma_start3A_83 = arith.constant 0 : i32
      %dma_start3A_84 = tpu.memref_slice %arg4[%squeeze3A_72, %dma_start3A_83] : memref<1000000x64xf32, #tpu.memory_space<hbm>> -> memref<1x64xf32, #tpu.memory_space<hbm>>
      tpu.enqueue_dma source(%dma_start3A_84 : memref<1x64xf32, #tpu.memory_space<hbm>>) target(%dma_start3A_82 : memref<1x64xf32, #tpu.memory_space<vmem>>) target_semaphore(%arg13 : memref<!tpu.dma_semaphore, #tpu.memory_space<semaphore_mem>>)
      %slice3A_85 = vector.extract_strided_slice %get3A_59 {offsets = [2], sizes = [1], strides = [1]} : vector<16xi32> to vector<1xi32>
      %squeeze3A_86 = vector.extract %slice3A_85[0] : i32 from vector<1xi32>
      %mul3A_87 = arith.constant 16 : i32
      %mul3A_88 = arith.muli %scan3A_53, %mul3A_87 : i32
      %add3A_89 = arith.constant 2 : i32
      %add3A_90 = arith.addi %mul3A_88, %add3A_89 : i32
      %dma_start3A_91 = arith.constant 0 : i32
      %dma_start3A_92 = tpu.memref_slice %arg11[%add3A_90, %dma_start3A_91] : memref<256x64xf32, #tpu.memory_space<vmem>> -> memref<1x64xf32, #tpu.memory_space<vmem>>
      %dma_start3A_93 = arith.constant 0 : i32
      %dma_start3A_94 = tpu.memref_slice %arg4[%squeeze3A_86, %dma_start3A_93] : memref<1000000x64xf32, #tpu.memory_space<hbm>> -> memref<1x64xf32, #tpu.memory_space<hbm>>
      %dma_start3A_95 = arith.constant 0 : i32
      %dma_start3A_96 = tpu.memref_slice %arg11[%add3A_90, %dma_start3A_95] : memref<256x64xf32, #tpu.memory_space<vmem>> -> memref<1x64xf32, #tpu.memory_space<vmem>>
      %dma_start3A_97 = arith.constant 0 : i32
      %dma_start3A_98 = tpu.memref_slice %arg4[%squeeze3A_86, %dma_start3A_97] : memref<1000000x64xf32, #tpu.memory_space<hbm>> -> memref<1x64xf32, #tpu.memory_space<hbm>>
      tpu.enqueue_dma source(%dma_start3A_98 : memref<1x64xf32, #tpu.memory_space<hbm>>) target(%dma_start3A_96 : memref<1x64xf32, #tpu.memory_space<vmem>>) target_semaphore(%arg13 : memref<!tpu.dma_semaphore, #tpu.memory_space<semaphore_mem>>)
      %slice3A_99 = vector.extract_strided_slice %get3A_59 {offsets = [3], sizes = [1], strides = [1]} : vector<16xi32> to vector<1xi32>
      %squeeze3A_100 = vector.extract %slice3A_99[0] : i32 from vector<1xi32>
      %mul3A_101 = arith.constant 16 : i32
      %mul3A_102 = arith.muli %scan3A_53, %mul3A_101 : i32
      %add3A_103 = arith.constant 3 : i32
      %add3A_104 = arith.addi %mul3A_102, %add3A_103 : i32
      %dma_start3A_105 = arith.constant 0 : i32
      %dma_start3A_106 = tpu.memref_slice %arg11[%add3A_104, %dma_start3A_105] : memref<256x64xf32, #tpu.memory_space<vmem>> -> memref<1x64xf32, #tpu.memory_space<vmem>>
      %dma_start3A_107 = arith.constant 0 : i32
      %dma_start3A_108 = tpu.memref_slice %arg4[%squeeze3A_100, %dma_start3A_107] : memref<1000000x64xf32, #tpu.memory_space<hbm>> -> memref<1x64xf32, #tpu.memory_space<hbm>>
      %dma_start3A_109 = arith.constant 0 : i32
      %dma_start3A_110 = tpu.memref_slice %arg11[%add3A_104, %dma_start3A_109] : memref<256x64xf32, #tpu.memory_space<vmem>> -> memref<1x64xf32, #tpu.memory_space<vmem>>
      %dma_start3A_111 = arith.constant 0 : i32
      %dma_start3A_112 = tpu.memref_slice %arg4[%squeeze3A_100, %dma_start3A_111] : memref<1000000x64xf32, #tpu.memory_space<hbm>> -> memref<1x64xf32, #tpu.memory_space<hbm>>
      tpu.enqueue_dma source(%dma_start3A_112 : memref<1x64xf32, #tpu.memory_space<hbm>>) target(%dma_start3A_110 : memref<1x64xf32, #tpu.memory_space<vmem>>) target_semaphore(%arg13 : memref<!tpu.dma_semaphore, #tpu.memory_space<semaphore_mem>>)
      %slice3A_113 = vector.extract_strided_slice %get3A_59 {offsets = [4], sizes = [1], strides = [1]} : vector<16xi32> to vector<1xi32>
      %squeeze3A_114 = vector.extract %slice3A_113[0] : i32 from vector<1xi32>
      %mul3A_115 = arith.constant 16 : i32
      %mul3A_116 = arith.muli %scan3A_53, %mul3A_115 : i32
      %add3A_117 = arith.constant 4 : i32
      %add3A_118 = arith.addi %mul3A_116, %add3A_117 : i32
      %dma_start3A_119 = arith.constant 0 : i32
      %dma_start3A_120 = tpu.memref_slice %arg11[%add3A_118, %dma_start3A_119] : memref<256x64xf32, #tpu.memory_space<vmem>> -> memref<1x64xf32, #tpu.memory_space<vmem>>
      %dma_start3A_121 = arith.constant 0 : i32
      %dma_start3A_122 = tpu.memref_slice %arg4[%squeeze3A_114, %dma_start3A_121] : memref<1000000x64xf32, #tpu.memory_space<hbm>> -> memref<1x64xf32, #tpu.memory_space<hbm>>
      %dma_start3A_123 = arith.constant 0 : i32
      %dma_start3A_124 = tpu.memref_slice %arg11[%add3A_118, %dma_start3A_123] : memref<256x64xf32, #tpu.memory_space<vmem>> -> memref<1x64xf32, #tpu.memory_space<vmem>>
      %dma_start3A_125 = arith.constant 0 : i32
      %dma_start3A_126 = tpu.memref_slice %arg4[%squeeze3A_114, %dma_start3A_125] : memref<1000000x64xf32, #tpu.memory_space<hbm>> -> memref<1x64xf32, #tpu.memory_space<hbm>>
      tpu.enqueue_dma source(%dma_start3A_126 : memref<1x64xf32, #tpu.memory_space<hbm>>) target(%dma_start3A_124 : memref<1x64xf32, #tpu.memory_space<vmem>>) target_semaphore(%arg13 : memref<!tpu.dma_semaphore, #tpu.memory_space<semaphore_mem>>)
      %slice3A_127 = vector.extract_strided_slice %get3A_59 {offsets = [5], sizes = [1], strides = [1]} : vector<16xi32> to vector<1xi32>
      %squeeze3A_128 = vector.extract %slice3A_127[0] : i32 from vector<1xi32>
      %mul3A_129 = arith.constant 16 : i32
      %mul3A_130 = arith.muli %scan3A_53, %mul3A_129 : i32
      %add3A_131 = arith.constant 5 : i32
      %add3A_132 = arith.addi %mul3A_130, %add3A_131 : i32
      %dma_start3A_133 = arith.constant 0 : i32
      %dma_start3A_134 = tpu.memref_slice %arg11[%add3A_132, %dma_start3A_133] : memref<256x64xf32, #tpu.memory_space<vmem>> -> memref<1x64xf32, #tpu.memory_space<vmem>>
      %dma_start3A_135 = arith.constant 0 : i32
      %dma_start3A_136 = tpu.memref_slice %arg4[%squeeze3A_128, %dma_start3A_135] : memref<1000000x64xf32, #tpu.memory_space<hbm>> -> memref<1x64xf32, #tpu.memory_space<hbm>>
      %dma_start3A_137 = arith.constant 0 : i32
      %dma_start3A_138 = tpu.memref_slice %arg11[%add3A_132, %dma_start3A_137] : memref<256x64xf32, #tpu.memory_space<vmem>> -> memref<1x64xf32, #tpu.memory_space<vmem>>
      %dma_start3A_139 = arith.constant 0 : i32
      %dma_start3A_140 = tpu.memref_slice %arg4[%squeeze3A_128, %dma_start3A_139] : memref<1000000x64xf32, #tpu.memory_space<hbm>> -> memref<1x64xf32, #tpu.memory_space<hbm>>
      tpu.enqueue_dma source(%dma_start3A_140 : memref<1x64xf32, #tpu.memory_space<hbm>>) target(%dma_start3A_138 : memref<1x64xf32, #tpu.memory_space<vmem>>) target_semaphore(%arg13 : memref<!tpu.dma_semaphore, #tpu.memory_space<semaphore_mem>>)
      %slice3A_141 = vector.extract_strided_slice %get3A_59 {offsets = [6], sizes = [1], strides = [1]} : vector<16xi32> to vector<1xi32>
      %squeeze3A_142 = vector.extract %slice3A_141[0] : i32 from vector<1xi32>
      %mul3A_143 = arith.constant 16 : i32
      %mul3A_144 = arith.muli %scan3A_53, %mul3A_143 : i32
      %add3A_145 = arith.constant 6 : i32
      %add3A_146 = arith.addi %mul3A_144, %add3A_145 : i32
      %dma_start3A_147 = arith.constant 0 : i32
      %dma_start3A_148 = tpu.memref_slice %arg11[%add3A_146, %dma_start3A_147] : memref<256x64xf32, #tpu.memory_space<vmem>> -> memref<1x64xf32, #tpu.memory_space<vmem>>
      %dma_start3A_149 = arith.constant 0 : i32
      %dma_start3A_150 = tpu.memref_slice %arg4[%squeeze3A_142, %dma_start3A_149] : memref<1000000x64xf32, #tpu.memory_space<hbm>> -> memref<1x64xf32, #tpu.memory_space<hbm>>
      %dma_start3A_151 = arith.constant 0 : i32
      %dma_start3A_152 = tpu.memref_slice %arg11[%add3A_146, %dma_start3A_151] : memref<256x64xf32, #tpu.memory_space<vmem>> -> memref<1x64xf32, #tpu.memory_space<vmem>>
      %dma_start3A_153 = arith.constant 0 : i32
      %dma_start3A_154 = tpu.memref_slice %arg4[%squeeze3A_142, %dma_start3A_153] : memref<1000000x64xf32, #tpu.memory_space<hbm>> -> memref<1x64xf32, #tpu.memory_space<hbm>>
      tpu.enqueue_dma source(%dma_start3A_154 : memref<1x64xf32, #tpu.memory_space<hbm>>) target(%dma_start3A_152 : memref<1x64xf32, #tpu.memory_space<vmem>>) target_semaphore(%arg13 : memref<!tpu.dma_semaphore, #tpu.memory_space<semaphore_mem>>)
      %slice3A_155 = vector.extract_strided_slice %get3A_59 {offsets = [7], sizes = [1], strides = [1]} : vector<16xi32> to vector<1xi32>
      %squeeze3A_156 = vector.extract %slice3A_155[0] : i32 from vector<1xi32>
      %mul3A_157 = arith.constant 16 : i32
      %mul3A_158 = arith.muli %scan3A_53, %mul3A_157 : i32
      %add3A_159 = arith.constant 7 : i32
      %add3A_160 = arith.addi %mul3A_158, %add3A_159 : i32
      %dma_start3A_161 = arith.constant 0 : i32
      %dma_start3A_162 = tpu.memref_slice %arg11[%add3A_160, %dma_start3A_161] : memref<256x64xf32, #tpu.memory_space<vmem>> -> memref<1x64xf32, #tpu.memory_space<vmem>>
      %dma_start3A_163 = arith.constant 0 : i32
      %dma_start3A_164 = tpu.memref_slice %arg4[%squeeze3A_156, %dma_start3A_163] : memref<1000000x64xf32, #tpu.memory_space<hbm>> -> memref<1x64xf32, #tpu.memory_space<hbm>>
      %dma_start3A_165 = arith.constant 0 : i32
      %dma_start3A_166 = tpu.memref_slice %arg11[%add3A_160, %dma_start3A_165] : memref<256x64xf32, #tpu.memory_space<vmem>> -> memref<1x64xf32, #tpu.memory_space<vmem>>
      %dma_start3A_167 = arith.constant 0 : i32
      %dma_start3A_168 = tpu.memref_slice %arg4[%squeeze3A_156, %dma_start3A_167] : memref<1000000x64xf32, #tpu.memory_space<hbm>> -> memref<1x64xf32, #tpu.memory_space<hbm>>
      tpu.enqueue_dma source(%dma_start3A_168 : memref<1x64xf32, #tpu.memory_space<hbm>>) target(%dma_start3A_166 : memref<1x64xf32, #tpu.memory_space<vmem>>) target_semaphore(%arg13 : memref<!tpu.dma_semaphore, #tpu.memory_space<semaphore_mem>>)
      %slice3A_169 = vector.extract_strided_slice %get3A_59 {offsets = [8], sizes = [1], strides = [1]} : vector<16xi32> to vector<1xi32>
      %squeeze3A_170 = vector.extract %slice3A_169[0] : i32 from vector<1xi32>
      %mul3A_171 = arith.constant 16 : i32
      %mul3A_172 = arith.muli %scan3A_53, %mul3A_171 : i32
      %add3A_173 = arith.constant 8 : i32
      %add3A_174 = arith.addi %mul3A_172, %add3A_173 : i32
      %dma_start3A_175 = arith.constant 0 : i32
      %dma_start3A_176 = tpu.memref_slice %arg11[%add3A_174, %dma_start3A_175] : memref<256x64xf32, #tpu.memory_space<vmem>> -> memref<1x64xf32, #tpu.memory_space<vmem>>
      %dma_start3A_177 = arith.constant 0 : i32
      %dma_start3A_178 = tpu.memref_slice %arg4[%squeeze3A_170, %dma_start3A_177] : memref<1000000x64xf32, #tpu.memory_space<hbm>> -> memref<1x64xf32, #tpu.memory_space<hbm>>
      %dma_start3A_179 = arith.constant 0 : i32
      %dma_start3A_180 = tpu.memref_slice %arg11[%add3A_174, %dma_start3A_179] : memref<256x64xf32, #tpu.memory_space<vmem>> -> memref<1x64xf32, #tpu.memory_space<vmem>>
      %dma_start3A_181 = arith.constant 0 : i32
      %dma_start3A_182 = tpu.memref_slice %arg4[%squeeze3A_170, %dma_start3A_181] : memref<1000000x64xf32, #tpu.memory_space<hbm>> -> memref<1x64xf32, #tpu.memory_space<hbm>>
      tpu.enqueue_dma source(%dma_start3A_182 : memref<1x64xf32, #tpu.memory_space<hbm>>) target(%dma_start3A_180 : memref<1x64xf32, #tpu.memory_space<vmem>>) target_semaphore(%arg13 : memref<!tpu.dma_semaphore, #tpu.memory_space<semaphore_mem>>)
      %slice3A_183 = vector.extract_strided_slice %get3A_59 {offsets = [9], sizes = [1], strides = [1]} : vector<16xi32> to vector<1xi32>
      %squeeze3A_184 = vector.extract %slice3A_183[0] : i32 from vector<1xi32>
      %mul3A_185 = arith.constant 16 : i32
      %mul3A_186 = arith.muli %scan3A_53, %mul3A_185 : i32
      %add3A_187 = arith.constant 9 : i32
      %add3A_188 = arith.addi %mul3A_186, %add3A_187 : i32
      %dma_start3A_189 = arith.constant 0 : i32
      %dma_start3A_190 = tpu.memref_slice %arg11[%add3A_188, %dma_start3A_189] : memref<256x64xf32, #tpu.memory_space<vmem>> -> memref<1x64xf32, #tpu.memory_space<vmem>>
      %dma_start3A_191 = arith.constant 0 : i32
      %dma_start3A_192 = tpu.memref_slice %arg4[%squeeze3A_184, %dma_start3A_191] : memref<1000000x64xf32, #tpu.memory_space<hbm>> -> memref<1x64xf32, #tpu.memory_space<hbm>>
      %dma_start3A_193 = arith.constant 0 : i32
      %dma_start3A_194 = tpu.memref_slice %arg11[%add3A_188, %dma_start3A_193] : memref<256x64xf32, #tpu.memory_space<vmem>> -> memref<1x64xf32, #tpu.memory_space<vmem>>
      %dma_start3A_195 = arith.constant 0 : i32
      %dma_start3A_196 = tpu.memref_slice %arg4[%squeeze3A_184, %dma_start3A_195] : memref<1000000x64xf32, #tpu.memory_space<hbm>> -> memref<1x64xf32, #tpu.memory_space<hbm>>
      tpu.enqueue_dma source(%dma_start3A_196 : memref<1x64xf32, #tpu.memory_space<hbm>>) target(%dma_start3A_194 : memref<1x64xf32, #tpu.memory_space<vmem>>) target_semaphore(%arg13 : memref<!tpu.dma_semaphore, #tpu.memory_space<semaphore_mem>>)
      %slice3A_197 = vector.extract_strided_slice %get3A_59 {offsets = [10], sizes = [1], strides = [1]} : vector<16xi32> to vector<1xi32>
      %squeeze3A_198 = vector.extract %slice3A_197[0] : i32 from vector<1xi32>
      %mul3A_199 = arith.constant 16 : i32
      %mul3A_200 = arith.muli %scan3A_53, %mul3A_199 : i32
      %add3A_201 = arith.constant 10 : i32
      %add3A_202 = arith.addi %mul3A_200, %add3A_201 : i32
      %dma_start3A_203 = arith.constant 0 : i32
      %dma_start3A_204 = tpu.memref_slice %arg11[%add3A_202, %dma_start3A_203] : memref<256x64xf32, #tpu.memory_space<vmem>> -> memref<1x64xf32, #tpu.memory_space<vmem>>
      %dma_start3A_205 = arith.constant 0 : i32
      %dma_start3A_206 = tpu.memref_slice %arg4[%squeeze3A_198, %dma_start3A_205] : memref<1000000x64xf32, #tpu.memory_space<hbm>> -> memref<1x64xf32, #tpu.memory_space<hbm>>
      %dma_start3A_207 = arith.constant 0 : i32
      %dma_start3A_208 = tpu.memref_slice %arg11[%add3A_202, %dma_start3A_207] : memref<256x64xf32, #tpu.memory_space<vmem>> -> memref<1x64xf32, #tpu.memory_space<vmem>>
      %dma_start3A_209 = arith.constant 0 : i32
      %dma_start3A_210 = tpu.memref_slice %arg4[%squeeze3A_198, %dma_start3A_209] : memref<1000000x64xf32, #tpu.memory_space<hbm>> -> memref<1x64xf32, #tpu.memory_space<hbm>>
      tpu.enqueue_dma source(%dma_start3A_210 : memref<1x64xf32, #tpu.memory_space<hbm>>) target(%dma_start3A_208 : memref<1x64xf32, #tpu.memory_space<vmem>>) target_semaphore(%arg13 : memref<!tpu.dma_semaphore, #tpu.memory_space<semaphore_mem>>)
      %slice3A_211 = vector.extract_strided_slice %get3A_59 {offsets = [11], sizes = [1], strides = [1]} : vector<16xi32> to vector<1xi32>
      %squeeze3A_212 = vector.extract %slice3A_211[0] : i32 from vector<1xi32>
      %mul3A_213 = arith.constant 16 : i32
      %mul3A_214 = arith.muli %scan3A_53, %mul3A_213 : i32
      %add3A_215 = arith.constant 11 : i32
      %add3A_216 = arith.addi %mul3A_214, %add3A_215 : i32
      %dma_start3A_217 = arith.constant 0 : i32
      %dma_start3A_218 = tpu.memref_slice %arg11[%add3A_216, %dma_start3A_217] : memref<256x64xf32, #tpu.memory_space<vmem>> -> memref<1x64xf32, #tpu.memory_space<vmem>>
      %dma_start3A_219 = arith.constant 0 : i32
      %dma_start3A_220 = tpu.memref_slice %arg4[%squeeze3A_212, %dma_start3A_219] : memref<1000000x64xf32, #tpu.memory_space<hbm>> -> memref<1x64xf32, #tpu.memory_space<hbm>>
      %dma_start3A_221 = arith.constant 0 : i32
      %dma_start3A_222 = tpu.memref_slice %arg11[%add3A_216, %dma_start3A_221] : memref<256x64xf32, #tpu.memory_space<vmem>> -> memref<1x64xf32, #tpu.memory_space<vmem>>
      %dma_start3A_223 = arith.constant 0 : i32
      %dma_start3A_224 = tpu.memref_slice %arg4[%squeeze3A_212, %dma_start3A_223] : memref<1000000x64xf32, #tpu.memory_space<hbm>> -> memref<1x64xf32, #tpu.memory_space<hbm>>
      tpu.enqueue_dma source(%dma_start3A_224 : memref<1x64xf32, #tpu.memory_space<hbm>>) target(%dma_start3A_222 : memref<1x64xf32, #tpu.memory_space<vmem>>) target_semaphore(%arg13 : memref<!tpu.dma_semaphore, #tpu.memory_space<semaphore_mem>>)
      %slice3A_225 = vector.extract_strided_slice %get3A_59 {offsets = [12], sizes = [1], strides = [1]} : vector<16xi32> to vector<1xi32>
      %squeeze3A_226 = vector.extract %slice3A_225[0] : i32 from vector<1xi32>
      %mul3A_227 = arith.constant 16 : i32
      %mul3A_228 = arith.muli %scan3A_53, %mul3A_227 : i32
      %add3A_229 = arith.constant 12 : i32
      %add3A_230 = arith.addi %mul3A_228, %add3A_229 : i32
      %dma_start3A_231 = arith.constant 0 : i32
      %dma_start3A_232 = tpu.memref_slice %arg11[%add3A_230, %dma_start3A_231] : memref<256x64xf32, #tpu.memory_space<vmem>> -> memref<1x64xf32, #tpu.memory_space<vmem>>
      %dma_start3A_233 = arith.constant 0 : i32
      %dma_start3A_234 = tpu.memref_slice %arg4[%squeeze3A_226, %dma_start3A_233] : memref<1000000x64xf32, #tpu.memory_space<hbm>> -> memref<1x64xf32, #tpu.memory_space<hbm>>
      %dma_start3A_235 = arith.constant 0 : i32
      %dma_start3A_236 = tpu.memref_slice %arg11[%add3A_230, %dma_start3A_235] : memref<256x64xf32, #tpu.memory_space<vmem>> -> memref<1x64xf32, #tpu.memory_space<vmem>>
      %dma_start3A_237 = arith.constant 0 : i32
      %dma_start3A_238 = tpu.memref_slice %arg4[%squeeze3A_226, %dma_start3A_237] : memref<1000000x64xf32, #tpu.memory_space<hbm>> -> memref<1x64xf32, #tpu.memory_space<hbm>>
      tpu.enqueue_dma source(%dma_start3A_238 : memref<1x64xf32, #tpu.memory_space<hbm>>) target(%dma_start3A_236 : memref<1x64xf32, #tpu.memory_space<vmem>>) target_semaphore(%arg13 : memref<!tpu.dma_semaphore, #tpu.memory_space<semaphore_mem>>)
      %slice3A_239 = vector.extract_strided_slice %get3A_59 {offsets = [13], sizes = [1], strides = [1]} : vector<16xi32> to vector<1xi32>
      %squeeze3A_240 = vector.extract %slice3A_239[0] : i32 from vector<1xi32>
      %mul3A_241 = arith.constant 16 : i32
      %mul3A_242 = arith.muli %scan3A_53, %mul3A_241 : i32
      %add3A_243 = arith.constant 13 : i32
      %add3A_244 = arith.addi %mul3A_242, %add3A_243 : i32
      %dma_start3A_245 = arith.constant 0 : i32
      %dma_start3A_246 = tpu.memref_slice %arg11[%add3A_244, %dma_start3A_245] : memref<256x64xf32, #tpu.memory_space<vmem>> -> memref<1x64xf32, #tpu.memory_space<vmem>>
      %dma_start3A_247 = arith.constant 0 : i32
      %dma_start3A_248 = tpu.memref_slice %arg4[%squeeze3A_240, %dma_start3A_247] : memref<1000000x64xf32, #tpu.memory_space<hbm>> -> memref<1x64xf32, #tpu.memory_space<hbm>>
      %dma_start3A_249 = arith.constant 0 : i32
      %dma_start3A_250 = tpu.memref_slice %arg11[%add3A_244, %dma_start3A_249] : memref<256x64xf32, #tpu.memory_space<vmem>> -> memref<1x64xf32, #tpu.memory_space<vmem>>
      %dma_start3A_251 = arith.constant 0 : i32
      %dma_start3A_252 = tpu.memref_slice %arg4[%squeeze3A_240, %dma_start3A_251] : memref<1000000x64xf32, #tpu.memory_space<hbm>> -> memref<1x64xf32, #tpu.memory_space<hbm>>
      tpu.enqueue_dma source(%dma_start3A_252 : memref<1x64xf32, #tpu.memory_space<hbm>>) target(%dma_start3A_250 : memref<1x64xf32, #tpu.memory_space<vmem>>) target_semaphore(%arg13 : memref<!tpu.dma_semaphore, #tpu.memory_space<semaphore_mem>>)
      %slice3A_253 = vector.extract_strided_slice %get3A_59 {offsets = [14], sizes = [1], strides = [1]} : vector<16xi32> to vector<1xi32>
      %squeeze3A_254 = vector.extract %slice3A_253[0] : i32 from vector<1xi32>
      %mul3A_255 = arith.constant 16 : i32
      %mul3A_256 = arith.muli %scan3A_53, %mul3A_255 : i32
      %add3A_257 = arith.constant 14 : i32
      %add3A_258 = arith.addi %mul3A_256, %add3A_257 : i32
      %dma_start3A_259 = arith.constant 0 : i32
      %dma_start3A_260 = tpu.memref_slice %arg11[%add3A_258, %dma_start3A_259] : memref<256x64xf32, #tpu.memory_space<vmem>> -> memref<1x64xf32, #tpu.memory_space<vmem>>
      %dma_start3A_261 = arith.constant 0 : i32
      %dma_start3A_262 = tpu.memref_slice %arg4[%squeeze3A_254, %dma_start3A_261] : memref<1000000x64xf32, #tpu.memory_space<hbm>> -> memref<1x64xf32, #tpu.memory_space<hbm>>
      %dma_start3A_263 = arith.constant 0 : i32
      %dma_start3A_264 = tpu.memref_slice %arg11[%add3A_258, %dma_start3A_263] : memref<256x64xf32, #tpu.memory_space<vmem>> -> memref<1x64xf32, #tpu.memory_space<vmem>>
      %dma_start3A_265 = arith.constant 0 : i32
      %dma_start3A_266 = tpu.memref_slice %arg4[%squeeze3A_254, %dma_start3A_265] : memref<1000000x64xf32, #tpu.memory_space<hbm>> -> memref<1x64xf32, #tpu.memory_space<hbm>>
      tpu.enqueue_dma source(%dma_start3A_266 : memref<1x64xf32, #tpu.memory_space<hbm>>) target(%dma_start3A_264 : memref<1x64xf32, #tpu.memory_space<vmem>>) target_semaphore(%arg13 : memref<!tpu.dma_semaphore, #tpu.memory_space<semaphore_mem>>)
      %slice3A_267 = vector.extract_strided_slice %get3A_59 {offsets = [15], sizes = [1], strides = [1]} : vector<16xi32> to vector<1xi32>
      %squeeze3A_268 = vector.extract %slice3A_267[0] : i32 from vector<1xi32>
      %mul3A_269 = arith.constant 16 : i32
      %mul3A_270 = arith.muli %scan3A_53, %mul3A_269 : i32
      %add3A_271 = arith.constant 15 : i32
      %add3A_272 = arith.addi %mul3A_270, %add3A_271 : i32
      %dma_start3A_273 = arith.constant 0 : i32
      %dma_start3A_274 = tpu.memref_slice %arg11[%add3A_272, %dma_start3A_273] : memref<256x64xf32, #tpu.memory_space<vmem>> -> memref<1x64xf32, #tpu.memory_space<vmem>>
      %dma_start3A_275 = arith.constant 0 : i32
      %dma_start3A_276 = tpu.memref_slice %arg4[%squeeze3A_268, %dma_start3A_275] : memref<1000000x64xf32, #tpu.memory_space<hbm>> -> memref<1x64xf32, #tpu.memory_space<hbm>>
      %dma_start3A_277 = arith.constant 0 : i32
      %dma_start3A_278 = tpu.memref_slice %arg11[%add3A_272, %dma_start3A_277] : memref<256x64xf32, #tpu.memory_space<vmem>> -> memref<1x64xf32, #tpu.memory_space<vmem>>
      %dma_start3A_279 = arith.constant 0 : i32
      %dma_start3A_280 = tpu.memref_slice %arg4[%squeeze3A_268, %dma_start3A_279] : memref<1000000x64xf32, #tpu.memory_space<hbm>> -> memref<1x64xf32, #tpu.memory_space<hbm>>
      tpu.enqueue_dma source(%dma_start3A_280 : memref<1x64xf32, #tpu.memory_space<hbm>>) target(%dma_start3A_278 : memref<1x64xf32, #tpu.memory_space<vmem>>) target_semaphore(%arg13 : memref<!tpu.dma_semaphore, #tpu.memory_space<semaphore_mem>>)
    }
    %scan3A_13 = arith.constant 16 : i32
    %dma_wait3A = arith.constant 0 : i32
    %dma_wait3A_14 = arith.constant 0 : i32
    %dma_wait3A_15 = tpu.memref_slice %arg4[%dma_wait3A, %dma_wait3A_14] : memref<1000000x64xf32, #tpu.memory_space<hbm>> -> memref<256x64xf32, #tpu.memory_space<hbm>>
    %dma_wait3A_16 = arith.constant 0 : i32
    %dma_wait3A_17 = arith.constant 0 : i32
    %dma_wait3A_18 = tpu.memref_slice %arg4[%dma_wait3A_16, %dma_wait3A_17] : memref<1000000x64xf32, #tpu.memory_space<hbm>> -> memref<256x64xf32, #tpu.memory_space<hbm>>
    tpu.wait_dma2 semaphore(%arg12 : memref<!tpu.dma_semaphore, #tpu.memory_space<semaphore_mem>>) src(%dma_wait3A_18 : memref<256x64xf32, #tpu.memory_space<hbm>>) dst(%arg10 : memref<256x64xf32, #tpu.memory_space<vmem>>)
    "tpu.region"() ({
      %run_scoped3A = tpu.sem_alloc : memref<!tpu.dma_semaphore, #tpu.memory_space<semaphore_mem>>
      %dma_start3A = arith.constant 0 : i32
      %dma_start3A_53 = tpu.memref_slice %arg6[%mul3A_2, %dma_start3A] : memref<16384x64xf32, #tpu.memory_space<hbm>> -> memref<256x64xf32, #tpu.memory_space<hbm>>
      %dma_start3A_54 = arith.constant 0 : i32
      %dma_start3A_55 = tpu.memref_slice %arg6[%mul3A_2, %dma_start3A_54] : memref<16384x64xf32, #tpu.memory_space<hbm>> -> memref<256x64xf32, #tpu.memory_space<hbm>>
      tpu.enqueue_dma source(%arg10 : memref<256x64xf32, #tpu.memory_space<vmem>>) target(%dma_start3A_55 : memref<256x64xf32, #tpu.memory_space<hbm>>) target_semaphore(%run_scoped3A : memref<!tpu.dma_semaphore, #tpu.memory_space<semaphore_mem>>)
      %dma_wait3A_56 = arith.constant 0 : i32
      %dma_wait3A_57 = tpu.memref_slice %arg6[%mul3A_2, %dma_wait3A_56] : memref<16384x64xf32, #tpu.memory_space<hbm>> -> memref<256x64xf32, #tpu.memory_space<hbm>>
      %dma_wait3A_58 = arith.constant 0 : i32
      %dma_wait3A_59 = tpu.memref_slice %arg6[%mul3A_2, %dma_wait3A_58] : memref<16384x64xf32, #tpu.memory_space<hbm>> -> memref<256x64xf32, #tpu.memory_space<hbm>>
      tpu.wait_dma2 semaphore(%run_scoped3A : memref<!tpu.dma_semaphore, #tpu.memory_space<semaphore_mem>>) src(%arg10 : memref<256x64xf32, #tpu.memory_space<vmem>>) dst(%dma_wait3A_59 : memref<256x64xf32, #tpu.memory_space<hbm>>)
      tpu.yield
    }) : () -> ()
    %scan3A_19 = arith.constant 0 : i32
    %scan3A_20 = arith.constant 0 : i32
    %scan3A_21 = arith.constant 16 : i32
    %scan3A_22 = arith.addi %scan3A_20, %scan3A_21 : i32
    %scan3A_23 = arith.constant 1 : i32
    scf.for %scan3A_53 = %scan3A_20 to %scan3A_22 step %scan3A_23  : i32 {
      %mul3A_54 = arith.constant 16 : i32
      %mul3A_55 = arith.muli %scan3A_53, %mul3A_54 : i32
      %add3A_56 = arith.constant 0 : i32
      %add3A_57 = arith.addi %add3A_56, %mul3A_55 : i32
      %get3A = arith.index_cast %add3A_57 : i32 to index
      %get3A_58 = tpu.vector_load %arg9[%get3A] {strides = array<i32>} : memref<512xi32, #tpu.memory_space<vmem>>, vector<16xi32>,
      %get3A_59 = vector.shape_cast %get3A_58 : vector<16xi32> to vector<16xi32>
      %slice3A = vector.extract_strided_slice %get3A_59 {offsets = [0], sizes = [1], strides = [1]} : vector<16xi32> to vector<1xi32>
      %squeeze3A = vector.extract %slice3A[0] : i32 from vector<1xi32>
      %mul3A_60 = arith.constant 16 : i32
      %mul3A_61 = arith.muli %scan3A_53, %mul3A_60 : i32
      %add3A_62 = arith.constant 0 : i32
      %add3A_63 = arith.addi %mul3A_61, %add3A_62 : i32
      %dma_start3A = arith.constant 0 : i32
      %dma_start3A_64 = tpu.memref_slice %arg10[%add3A_63, %dma_start3A] : memref<256x64xf32, #tpu.memory_space<vmem>> -> memref<1x64xf32, #tpu.memory_space<vmem>>
      %dma_start3A_65 = arith.constant 0 : i32
      %dma_start3A_66 = tpu.memref_slice %arg5[%squeeze3A, %dma_start3A_65] : memref<100000x64xf32, #tpu.memory_space<hbm>> -> memref<1x64xf32, #tpu.memory_space<hbm>>
      %dma_start3A_67 = arith.constant 0 : i32
      %dma_start3A_68 = tpu.memref_slice %arg10[%add3A_63, %dma_start3A_67] : memref<256x64xf32, #tpu.memory_space<vmem>> -> memref<1x64xf32, #tpu.memory_space<vmem>>
      %dma_start3A_69 = arith.constant 0 : i32
      %dma_start3A_70 = tpu.memref_slice %arg5[%squeeze3A, %dma_start3A_69] : memref<100000x64xf32, #tpu.memory_space<hbm>> -> memref<1x64xf32, #tpu.memory_space<hbm>>
      tpu.enqueue_dma source(%dma_start3A_70 : memref<1x64xf32, #tpu.memory_space<hbm>>) target(%dma_start3A_68 : memref<1x64xf32, #tpu.memory_space<vmem>>) target_semaphore(%arg14 : memref<!tpu.dma_semaphore, #tpu.memory_space<semaphore_mem>>)
      %slice3A_71 = vector.extract_strided_slice %get3A_59 {offsets = [1], sizes = [1], strides = [1]} : vector<16xi32> to vector<1xi32>
      %squeeze3A_72 = vector.extract %slice3A_71[0] : i32 from vector<1xi32>
      %mul3A_73 = arith.constant 16 : i32
      %mul3A_74 = arith.muli %scan3A_53, %mul3A_73 : i32
      %add3A_75 = arith.constant 1 : i32
      %add3A_76 = arith.addi %mul3A_74, %add3A_75 : i32
      %dma_start3A_77 = arith.constant 0 : i32
      %dma_start3A_78 = tpu.memref_slice %arg10[%add3A_76, %dma_start3A_77] : memref<256x64xf32, #tpu.memory_space<vmem>> -> memref<1x64xf32, #tpu.memory_space<vmem>>
      %dma_start3A_79 = arith.constant 0 : i32
      %dma_start3A_80 = tpu.memref_slice %arg5[%squeeze3A_72, %dma_start3A_79] : memref<100000x64xf32, #tpu.memory_space<hbm>> -> memref<1x64xf32, #tpu.memory_space<hbm>>
      %dma_start3A_81 = arith.constant 0 : i32
      %dma_start3A_82 = tpu.memref_slice %arg10[%add3A_76, %dma_start3A_81] : memref<256x64xf32, #tpu.memory_space<vmem>> -> memref<1x64xf32, #tpu.memory_space<vmem>>
      %dma_start3A_83 = arith.constant 0 : i32
      %dma_start3A_84 = tpu.memref_slice %arg5[%squeeze3A_72, %dma_start3A_83] : memref<100000x64xf32, #tpu.memory_space<hbm>> -> memref<1x64xf32, #tpu.memory_space<hbm>>
      tpu.enqueue_dma source(%dma_start3A_84 : memref<1x64xf32, #tpu.memory_space<hbm>>) target(%dma_start3A_82 : memref<1x64xf32, #tpu.memory_space<vmem>>) target_semaphore(%arg14 : memref<!tpu.dma_semaphore, #tpu.memory_space<semaphore_mem>>)
      %slice3A_85 = vector.extract_strided_slice %get3A_59 {offsets = [2], sizes = [1], strides = [1]} : vector<16xi32> to vector<1xi32>
      %squeeze3A_86 = vector.extract %slice3A_85[0] : i32 from vector<1xi32>
      %mul3A_87 = arith.constant 16 : i32
      %mul3A_88 = arith.muli %scan3A_53, %mul3A_87 : i32
      %add3A_89 = arith.constant 2 : i32
      %add3A_90 = arith.addi %mul3A_88, %add3A_89 : i32
      %dma_start3A_91 = arith.constant 0 : i32
      %dma_start3A_92 = tpu.memref_slice %arg10[%add3A_90, %dma_start3A_91] : memref<256x64xf32, #tpu.memory_space<vmem>> -> memref<1x64xf32, #tpu.memory_space<vmem>>
      %dma_start3A_93 = arith.constant 0 : i32
      %dma_start3A_94 = tpu.memref_slice %arg5[%squeeze3A_86, %dma_start3A_93] : memref<100000x64xf32, #tpu.memory_space<hbm>> -> memref<1x64xf32, #tpu.memory_space<hbm>>
      %dma_start3A_95 = arith.constant 0 : i32
      %dma_start3A_96 = tpu.memref_slice %arg10[%add3A_90, %dma_start3A_95] : memref<256x64xf32, #tpu.memory_space<vmem>> -> memref<1x64xf32, #tpu.memory_space<vmem>>
      %dma_start3A_97 = arith.constant 0 : i32
      %dma_start3A_98 = tpu.memref_slice %arg5[%squeeze3A_86, %dma_start3A_97] : memref<100000x64xf32, #tpu.memory_space<hbm>> -> memref<1x64xf32, #tpu.memory_space<hbm>>
      tpu.enqueue_dma source(%dma_start3A_98 : memref<1x64xf32, #tpu.memory_space<hbm>>) target(%dma_start3A_96 : memref<1x64xf32, #tpu.memory_space<vmem>>) target_semaphore(%arg14 : memref<!tpu.dma_semaphore, #tpu.memory_space<semaphore_mem>>)
      %slice3A_99 = vector.extract_strided_slice %get3A_59 {offsets = [3], sizes = [1], strides = [1]} : vector<16xi32> to vector<1xi32>
      %squeeze3A_100 = vector.extract %slice3A_99[0] : i32 from vector<1xi32>
      %mul3A_101 = arith.constant 16 : i32
      %mul3A_102 = arith.muli %scan3A_53, %mul3A_101 : i32
      %add3A_103 = arith.constant 3 : i32
      %add3A_104 = arith.addi %mul3A_102, %add3A_103 : i32
      %dma_start3A_105 = arith.constant 0 : i32
      %dma_start3A_106 = tpu.memref_slice %arg10[%add3A_104, %dma_start3A_105] : memref<256x64xf32, #tpu.memory_space<vmem>> -> memref<1x64xf32, #tpu.memory_space<vmem>>
      %dma_start3A_107 = arith.constant 0 : i32
      %dma_start3A_108 = tpu.memref_slice %arg5[%squeeze3A_100, %dma_start3A_107] : memref<100000x64xf32, #tpu.memory_space<hbm>> -> memref<1x64xf32, #tpu.memory_space<hbm>>
      %dma_start3A_109 = arith.constant 0 : i32
      %dma_start3A_110 = tpu.memref_slice %arg10[%add3A_104, %dma_start3A_109] : memref<256x64xf32, #tpu.memory_space<vmem>> -> memref<1x64xf32, #tpu.memory_space<vmem>>
      %dma_start3A_111 = arith.constant 0 : i32
      %dma_start3A_112 = tpu.memref_slice %arg5[%squeeze3A_100, %dma_start3A_111] : memref<100000x64xf32, #tpu.memory_space<hbm>> -> memref<1x64xf32, #tpu.memory_space<hbm>>
      tpu.enqueue_dma source(%dma_start3A_112 : memref<1x64xf32, #tpu.memory_space<hbm>>) target(%dma_start3A_110 : memref<1x64xf32, #tpu.memory_space<vmem>>) target_semaphore(%arg14 : memref<!tpu.dma_semaphore, #tpu.memory_space<semaphore_mem>>)
      %slice3A_113 = vector.extract_strided_slice %get3A_59 {offsets = [4], sizes = [1], strides = [1]} : vector<16xi32> to vector<1xi32>
      %squeeze3A_114 = vector.extract %slice3A_113[0] : i32 from vector<1xi32>
      %mul3A_115 = arith.constant 16 : i32
      %mul3A_116 = arith.muli %scan3A_53, %mul3A_115 : i32
      %add3A_117 = arith.constant 4 : i32
      %add3A_118 = arith.addi %mul3A_116, %add3A_117 : i32
      %dma_start3A_119 = arith.constant 0 : i32
      %dma_start3A_120 = tpu.memref_slice %arg10[%add3A_118, %dma_start3A_119] : memref<256x64xf32, #tpu.memory_space<vmem>> -> memref<1x64xf32, #tpu.memory_space<vmem>>
      %dma_start3A_121 = arith.constant 0 : i32
      %dma_start3A_122 = tpu.memref_slice %arg5[%squeeze3A_114, %dma_start3A_121] : memref<100000x64xf32, #tpu.memory_space<hbm>> -> memref<1x64xf32, #tpu.memory_space<hbm>>
      %dma_start3A_123 = arith.constant 0 : i32
      %dma_start3A_124 = tpu.memref_slice %arg10[%add3A_118, %dma_start3A_123] : memref<256x64xf32, #tpu.memory_space<vmem>> -> memref<1x64xf32, #tpu.memory_space<vmem>>
      %dma_start3A_125 = arith.constant 0 : i32
      %dma_start3A_126 = tpu.memref_slice %arg5[%squeeze3A_114, %dma_start3A_125] : memref<100000x64xf32, #tpu.memory_space<hbm>> -> memref<1x64xf32, #tpu.memory_space<hbm>>
      tpu.enqueue_dma source(%dma_start3A_126 : memref<1x64xf32, #tpu.memory_space<hbm>>) target(%dma_start3A_124 : memref<1x64xf32, #tpu.memory_space<vmem>>) target_semaphore(%arg14 : memref<!tpu.dma_semaphore, #tpu.memory_space<semaphore_mem>>)
      %slice3A_127 = vector.extract_strided_slice %get3A_59 {offsets = [5], sizes = [1], strides = [1]} : vector<16xi32> to vector<1xi32>
      %squeeze3A_128 = vector.extract %slice3A_127[0] : i32 from vector<1xi32>
      %mul3A_129 = arith.constant 16 : i32
      %mul3A_130 = arith.muli %scan3A_53, %mul3A_129 : i32
      %add3A_131 = arith.constant 5 : i32
      %add3A_132 = arith.addi %mul3A_130, %add3A_131 : i32
      %dma_start3A_133 = arith.constant 0 : i32
      %dma_start3A_134 = tpu.memref_slice %arg10[%add3A_132, %dma_start3A_133] : memref<256x64xf32, #tpu.memory_space<vmem>> -> memref<1x64xf32, #tpu.memory_space<vmem>>
      %dma_start3A_135 = arith.constant 0 : i32
      %dma_start3A_136 = tpu.memref_slice %arg5[%squeeze3A_128, %dma_start3A_135] : memref<100000x64xf32, #tpu.memory_space<hbm>> -> memref<1x64xf32, #tpu.memory_space<hbm>>
      %dma_start3A_137 = arith.constant 0 : i32
      %dma_start3A_138 = tpu.memref_slice %arg10[%add3A_132, %dma_start3A_137] : memref<256x64xf32, #tpu.memory_space<vmem>> -> memref<1x64xf32, #tpu.memory_space<vmem>>
      %dma_start3A_139 = arith.constant 0 : i32
      %dma_start3A_140 = tpu.memref_slice %arg5[%squeeze3A_128, %dma_start3A_139] : memref<100000x64xf32, #tpu.memory_space<hbm>> -> memref<1x64xf32, #tpu.memory_space<hbm>>
      tpu.enqueue_dma source(%dma_start3A_140 : memref<1x64xf32, #tpu.memory_space<hbm>>) target(%dma_start3A_138 : memref<1x64xf32, #tpu.memory_space<vmem>>) target_semaphore(%arg14 : memref<!tpu.dma_semaphore, #tpu.memory_space<semaphore_mem>>)
      %slice3A_141 = vector.extract_strided_slice %get3A_59 {offsets = [6], sizes = [1], strides = [1]} : vector<16xi32> to vector<1xi32>
      %squeeze3A_142 = vector.extract %slice3A_141[0] : i32 from vector<1xi32>
      %mul3A_143 = arith.constant 16 : i32
      %mul3A_144 = arith.muli %scan3A_53, %mul3A_143 : i32
      %add3A_145 = arith.constant 6 : i32
      %add3A_146 = arith.addi %mul3A_144, %add3A_145 : i32
      %dma_start3A_147 = arith.constant 0 : i32
      %dma_start3A_148 = tpu.memref_slice %arg10[%add3A_146, %dma_start3A_147] : memref<256x64xf32, #tpu.memory_space<vmem>> -> memref<1x64xf32, #tpu.memory_space<vmem>>
      %dma_start3A_149 = arith.constant 0 : i32
      %dma_start3A_150 = tpu.memref_slice %arg5[%squeeze3A_142, %dma_start3A_149] : memref<100000x64xf32, #tpu.memory_space<hbm>> -> memref<1x64xf32, #tpu.memory_space<hbm>>
      %dma_start3A_151 = arith.constant 0 : i32
      %dma_start3A_152 = tpu.memref_slice %arg10[%add3A_146, %dma_start3A_151] : memref<256x64xf32, #tpu.memory_space<vmem>> -> memref<1x64xf32, #tpu.memory_space<vmem>>
      %dma_start3A_153 = arith.constant 0 : i32
      %dma_start3A_154 = tpu.memref_slice %arg5[%squeeze3A_142, %dma_start3A_153] : memref<100000x64xf32, #tpu.memory_space<hbm>> -> memref<1x64xf32, #tpu.memory_space<hbm>>
      tpu.enqueue_dma source(%dma_start3A_154 : memref<1x64xf32, #tpu.memory_space<hbm>>) target(%dma_start3A_152 : memref<1x64xf32, #tpu.memory_space<vmem>>) target_semaphore(%arg14 : memref<!tpu.dma_semaphore, #tpu.memory_space<semaphore_mem>>)
      %slice3A_155 = vector.extract_strided_slice %get3A_59 {offsets = [7], sizes = [1], strides = [1]} : vector<16xi32> to vector<1xi32>
      %squeeze3A_156 = vector.extract %slice3A_155[0] : i32 from vector<1xi32>
      %mul3A_157 = arith.constant 16 : i32
      %mul3A_158 = arith.muli %scan3A_53, %mul3A_157 : i32
      %add3A_159 = arith.constant 7 : i32
      %add3A_160 = arith.addi %mul3A_158, %add3A_159 : i32
      %dma_start3A_161 = arith.constant 0 : i32
      %dma_start3A_162 = tpu.memref_slice %arg10[%add3A_160, %dma_start3A_161] : memref<256x64xf32, #tpu.memory_space<vmem>> -> memref<1x64xf32, #tpu.memory_space<vmem>>
      %dma_start3A_163 = arith.constant 0 : i32
      %dma_start3A_164 = tpu.memref_slice %arg5[%squeeze3A_156, %dma_start3A_163] : memref<100000x64xf32, #tpu.memory_space<hbm>> -> memref<1x64xf32, #tpu.memory_space<hbm>>
      %dma_start3A_165 = arith.constant 0 : i32
      %dma_start3A_166 = tpu.memref_slice %arg10[%add3A_160, %dma_start3A_165] : memref<256x64xf32, #tpu.memory_space<vmem>> -> memref<1x64xf32, #tpu.memory_space<vmem>>
      %dma_start3A_167 = arith.constant 0 : i32
      %dma_start3A_168 = tpu.memref_slice %arg5[%squeeze3A_156, %dma_start3A_167] : memref<100000x64xf32, #tpu.memory_space<hbm>> -> memref<1x64xf32, #tpu.memory_space<hbm>>
      tpu.enqueue_dma source(%dma_start3A_168 : memref<1x64xf32, #tpu.memory_space<hbm>>) target(%dma_start3A_166 : memref<1x64xf32, #tpu.memory_space<vmem>>) target_semaphore(%arg14 : memref<!tpu.dma_semaphore, #tpu.memory_space<semaphore_mem>>)
      %slice3A_169 = vector.extract_strided_slice %get3A_59 {offsets = [8], sizes = [1], strides = [1]} : vector<16xi32> to vector<1xi32>
      %squeeze3A_170 = vector.extract %slice3A_169[0] : i32 from vector<1xi32>
      %mul3A_171 = arith.constant 16 : i32
      %mul3A_172 = arith.muli %scan3A_53, %mul3A_171 : i32
      %add3A_173 = arith.constant 8 : i32
      %add3A_174 = arith.addi %mul3A_172, %add3A_173 : i32
      %dma_start3A_175 = arith.constant 0 : i32
      %dma_start3A_176 = tpu.memref_slice %arg10[%add3A_174, %dma_start3A_175] : memref<256x64xf32, #tpu.memory_space<vmem>> -> memref<1x64xf32, #tpu.memory_space<vmem>>
      %dma_start3A_177 = arith.constant 0 : i32
      %dma_start3A_178 = tpu.memref_slice %arg5[%squeeze3A_170, %dma_start3A_177] : memref<100000x64xf32, #tpu.memory_space<hbm>> -> memref<1x64xf32, #tpu.memory_space<hbm>>
      %dma_start3A_179 = arith.constant 0 : i32
      %dma_start3A_180 = tpu.memref_slice %arg10[%add3A_174, %dma_start3A_179] : memref<256x64xf32, #tpu.memory_space<vmem>> -> memref<1x64xf32, #tpu.memory_space<vmem>>
      %dma_start3A_181 = arith.constant 0 : i32
      %dma_start3A_182 = tpu.memref_slice %arg5[%squeeze3A_170, %dma_start3A_181] : memref<100000x64xf32, #tpu.memory_space<hbm>> -> memref<1x64xf32, #tpu.memory_space<hbm>>
      tpu.enqueue_dma source(%dma_start3A_182 : memref<1x64xf32, #tpu.memory_space<hbm>>) target(%dma_start3A_180 : memref<1x64xf32, #tpu.memory_space<vmem>>) target_semaphore(%arg14 : memref<!tpu.dma_semaphore, #tpu.memory_space<semaphore_mem>>)
      %slice3A_183 = vector.extract_strided_slice %get3A_59 {offsets = [9], sizes = [1], strides = [1]} : vector<16xi32> to vector<1xi32>
      %squeeze3A_184 = vector.extract %slice3A_183[0] : i32 from vector<1xi32>
      %mul3A_185 = arith.constant 16 : i32
      %mul3A_186 = arith.muli %scan3A_53, %mul3A_185 : i32
      %add3A_187 = arith.constant 9 : i32
      %add3A_188 = arith.addi %mul3A_186, %add3A_187 : i32
      %dma_start3A_189 = arith.constant 0 : i32
      %dma_start3A_190 = tpu.memref_slice %arg10[%add3A_188, %dma_start3A_189] : memref<256x64xf32, #tpu.memory_space<vmem>> -> memref<1x64xf32, #tpu.memory_space<vmem>>
      %dma_start3A_191 = arith.constant 0 : i32
      %dma_start3A_192 = tpu.memref_slice %arg5[%squeeze3A_184, %dma_start3A_191] : memref<100000x64xf32, #tpu.memory_space<hbm>> -> memref<1x64xf32, #tpu.memory_space<hbm>>
      %dma_start3A_193 = arith.constant 0 : i32
      %dma_start3A_194 = tpu.memref_slice %arg10[%add3A_188, %dma_start3A_193] : memref<256x64xf32, #tpu.memory_space<vmem>> -> memref<1x64xf32, #tpu.memory_space<vmem>>
      %dma_start3A_195 = arith.constant 0 : i32
      %dma_start3A_196 = tpu.memref_slice %arg5[%squeeze3A_184, %dma_start3A_195] : memref<100000x64xf32, #tpu.memory_space<hbm>> -> memref<1x64xf32, #tpu.memory_space<hbm>>
      tpu.enqueue_dma source(%dma_start3A_196 : memref<1x64xf32, #tpu.memory_space<hbm>>) target(%dma_start3A_194 : memref<1x64xf32, #tpu.memory_space<vmem>>) target_semaphore(%arg14 : memref<!tpu.dma_semaphore, #tpu.memory_space<semaphore_mem>>)
      %slice3A_197 = vector.extract_strided_slice %get3A_59 {offsets = [10], sizes = [1], strides = [1]} : vector<16xi32> to vector<1xi32>
      %squeeze3A_198 = vector.extract %slice3A_197[0] : i32 from vector<1xi32>
      %mul3A_199 = arith.constant 16 : i32
      %mul3A_200 = arith.muli %scan3A_53, %mul3A_199 : i32
      %add3A_201 = arith.constant 10 : i32
      %add3A_202 = arith.addi %mul3A_200, %add3A_201 : i32
      %dma_start3A_203 = arith.constant 0 : i32
      %dma_start3A_204 = tpu.memref_slice %arg10[%add3A_202, %dma_start3A_203] : memref<256x64xf32, #tpu.memory_space<vmem>> -> memref<1x64xf32, #tpu.memory_space<vmem>>
      %dma_start3A_205 = arith.constant 0 : i32
      %dma_start3A_206 = tpu.memref_slice %arg5[%squeeze3A_198, %dma_start3A_205] : memref<100000x64xf32, #tpu.memory_space<hbm>> -> memref<1x64xf32, #tpu.memory_space<hbm>>
      %dma_start3A_207 = arith.constant 0 : i32
      %dma_start3A_208 = tpu.memref_slice %arg10[%add3A_202, %dma_start3A_207] : memref<256x64xf32, #tpu.memory_space<vmem>> -> memref<1x64xf32, #tpu.memory_space<vmem>>
      %dma_start3A_209 = arith.constant 0 : i32
      %dma_start3A_210 = tpu.memref_slice %arg5[%squeeze3A_198, %dma_start3A_209] : memref<100000x64xf32, #tpu.memory_space<hbm>> -> memref<1x64xf32, #tpu.memory_space<hbm>>
      tpu.enqueue_dma source(%dma_start3A_210 : memref<1x64xf32, #tpu.memory_space<hbm>>) target(%dma_start3A_208 : memref<1x64xf32, #tpu.memory_space<vmem>>) target_semaphore(%arg14 : memref<!tpu.dma_semaphore, #tpu.memory_space<semaphore_mem>>)
      %slice3A_211 = vector.extract_strided_slice %get3A_59 {offsets = [11], sizes = [1], strides = [1]} : vector<16xi32> to vector<1xi32>
      %squeeze3A_212 = vector.extract %slice3A_211[0] : i32 from vector<1xi32>
      %mul3A_213 = arith.constant 16 : i32
      %mul3A_214 = arith.muli %scan3A_53, %mul3A_213 : i32
      %add3A_215 = arith.constant 11 : i32
      %add3A_216 = arith.addi %mul3A_214, %add3A_215 : i32
      %dma_start3A_217 = arith.constant 0 : i32
      %dma_start3A_218 = tpu.memref_slice %arg10[%add3A_216, %dma_start3A_217] : memref<256x64xf32, #tpu.memory_space<vmem>> -> memref<1x64xf32, #tpu.memory_space<vmem>>
      %dma_start3A_219 = arith.constant 0 : i32
      %dma_start3A_220 = tpu.memref_slice %arg5[%squeeze3A_212, %dma_start3A_219] : memref<100000x64xf32, #tpu.memory_space<hbm>> -> memref<1x64xf32, #tpu.memory_space<hbm>>
      %dma_start3A_221 = arith.constant 0 : i32
      %dma_start3A_222 = tpu.memref_slice %arg10[%add3A_216, %dma_start3A_221] : memref<256x64xf32, #tpu.memory_space<vmem>> -> memref<1x64xf32, #tpu.memory_space<vmem>>
      %dma_start3A_223 = arith.constant 0 : i32
      %dma_start3A_224 = tpu.memref_slice %arg5[%squeeze3A_212, %dma_start3A_223] : memref<100000x64xf32, #tpu.memory_space<hbm>> -> memref<1x64xf32, #tpu.memory_space<hbm>>
      tpu.enqueue_dma source(%dma_start3A_224 : memref<1x64xf32, #tpu.memory_space<hbm>>) target(%dma_start3A_222 : memref<1x64xf32, #tpu.memory_space<vmem>>) target_semaphore(%arg14 : memref<!tpu.dma_semaphore, #tpu.memory_space<semaphore_mem>>)
      %slice3A_225 = vector.extract_strided_slice %get3A_59 {offsets = [12], sizes = [1], strides = [1]} : vector<16xi32> to vector<1xi32>
      %squeeze3A_226 = vector.extract %slice3A_225[0] : i32 from vector<1xi32>
      %mul3A_227 = arith.constant 16 : i32
      %mul3A_228 = arith.muli %scan3A_53, %mul3A_227 : i32
      %add3A_229 = arith.constant 12 : i32
      %add3A_230 = arith.addi %mul3A_228, %add3A_229 : i32
      %dma_start3A_231 = arith.constant 0 : i32
      %dma_start3A_232 = tpu.memref_slice %arg10[%add3A_230, %dma_start3A_231] : memref<256x64xf32, #tpu.memory_space<vmem>> -> memref<1x64xf32, #tpu.memory_space<vmem>>
      %dma_start3A_233 = arith.constant 0 : i32
      %dma_start3A_234 = tpu.memref_slice %arg5[%squeeze3A_226, %dma_start3A_233] : memref<100000x64xf32, #tpu.memory_space<hbm>> -> memref<1x64xf32, #tpu.memory_space<hbm>>
      %dma_start3A_235 = arith.constant 0 : i32
      %dma_start3A_236 = tpu.memref_slice %arg10[%add3A_230, %dma_start3A_235] : memref<256x64xf32, #tpu.memory_space<vmem>> -> memref<1x64xf32, #tpu.memory_space<vmem>>
      %dma_start3A_237 = arith.constant 0 : i32
      %dma_start3A_238 = tpu.memref_slice %arg5[%squeeze3A_226, %dma_start3A_237] : memref<100000x64xf32, #tpu.memory_space<hbm>> -> memref<1x64xf32, #tpu.memory_space<hbm>>
      tpu.enqueue_dma source(%dma_start3A_238 : memref<1x64xf32, #tpu.memory_space<hbm>>) target(%dma_start3A_236 : memref<1x64xf32, #tpu.memory_space<vmem>>) target_semaphore(%arg14 : memref<!tpu.dma_semaphore, #tpu.memory_space<semaphore_mem>>)
      %slice3A_239 = vector.extract_strided_slice %get3A_59 {offsets = [13], sizes = [1], strides = [1]} : vector<16xi32> to vector<1xi32>
      %squeeze3A_240 = vector.extract %slice3A_239[0] : i32 from vector<1xi32>
      %mul3A_241 = arith.constant 16 : i32
      %mul3A_242 = arith.muli %scan3A_53, %mul3A_241 : i32
      %add3A_243 = arith.constant 13 : i32
      %add3A_244 = arith.addi %mul3A_242, %add3A_243 : i32
      %dma_start3A_245 = arith.constant 0 : i32
      %dma_start3A_246 = tpu.memref_slice %arg10[%add3A_244, %dma_start3A_245] : memref<256x64xf32, #tpu.memory_space<vmem>> -> memref<1x64xf32, #tpu.memory_space<vmem>>
      %dma_start3A_247 = arith.constant 0 : i32
      %dma_start3A_248 = tpu.memref_slice %arg5[%squeeze3A_240, %dma_start3A_247] : memref<100000x64xf32, #tpu.memory_space<hbm>> -> memref<1x64xf32, #tpu.memory_space<hbm>>
      %dma_start3A_249 = arith.constant 0 : i32
      %dma_start3A_250 = tpu.memref_slice %arg10[%add3A_244, %dma_start3A_249] : memref<256x64xf32, #tpu.memory_space<vmem>> -> memref<1x64xf32, #tpu.memory_space<vmem>>
      %dma_start3A_251 = arith.constant 0 : i32
      %dma_start3A_252 = tpu.memref_slice %arg5[%squeeze3A_240, %dma_start3A_251] : memref<100000x64xf32, #tpu.memory_space<hbm>> -> memref<1x64xf32, #tpu.memory_space<hbm>>
      tpu.enqueue_dma source(%dma_start3A_252 : memref<1x64xf32, #tpu.memory_space<hbm>>) target(%dma_start3A_250 : memref<1x64xf32, #tpu.memory_space<vmem>>) target_semaphore(%arg14 : memref<!tpu.dma_semaphore, #tpu.memory_space<semaphore_mem>>)
      %slice3A_253 = vector.extract_strided_slice %get3A_59 {offsets = [14], sizes = [1], strides = [1]} : vector<16xi32> to vector<1xi32>
      %squeeze3A_254 = vector.extract %slice3A_253[0] : i32 from vector<1xi32>
      %mul3A_255 = arith.constant 16 : i32
      %mul3A_256 = arith.muli %scan3A_53, %mul3A_255 : i32
      %add3A_257 = arith.constant 14 : i32
      %add3A_258 = arith.addi %mul3A_256, %add3A_257 : i32
      %dma_start3A_259 = arith.constant 0 : i32
      %dma_start3A_260 = tpu.memref_slice %arg10[%add3A_258, %dma_start3A_259] : memref<256x64xf32, #tpu.memory_space<vmem>> -> memref<1x64xf32, #tpu.memory_space<vmem>>
      %dma_start3A_261 = arith.constant 0 : i32
      %dma_start3A_262 = tpu.memref_slice %arg5[%squeeze3A_254, %dma_start3A_261] : memref<100000x64xf32, #tpu.memory_space<hbm>> -> memref<1x64xf32, #tpu.memory_space<hbm>>
      %dma_start3A_263 = arith.constant 0 : i32
      %dma_start3A_264 = tpu.memref_slice %arg10[%add3A_258, %dma_start3A_263] : memref<256x64xf32, #tpu.memory_space<vmem>> -> memref<1x64xf32, #tpu.memory_space<vmem>>
      %dma_start3A_265 = arith.constant 0 : i32
      %dma_start3A_266 = tpu.memref_slice %arg5[%squeeze3A_254, %dma_start3A_265] : memref<100000x64xf32, #tpu.memory_space<hbm>> -> memref<1x64xf32, #tpu.memory_space<hbm>>
      tpu.enqueue_dma source(%dma_start3A_266 : memref<1x64xf32, #tpu.memory_space<hbm>>) target(%dma_start3A_264 : memref<1x64xf32, #tpu.memory_space<vmem>>) target_semaphore(%arg14 : memref<!tpu.dma_semaphore, #tpu.memory_space<semaphore_mem>>)
      %slice3A_267 = vector.extract_strided_slice %get3A_59 {offsets = [15], sizes = [1], strides = [1]} : vector<16xi32> to vector<1xi32>
      %squeeze3A_268 = vector.extract %slice3A_267[0] : i32 from vector<1xi32>
      %mul3A_269 = arith.constant 16 : i32
      %mul3A_270 = arith.muli %scan3A_53, %mul3A_269 : i32
      %add3A_271 = arith.constant 15 : i32
      %add3A_272 = arith.addi %mul3A_270, %add3A_271 : i32
      %dma_start3A_273 = arith.constant 0 : i32
      %dma_start3A_274 = tpu.memref_slice %arg10[%add3A_272, %dma_start3A_273] : memref<256x64xf32, #tpu.memory_space<vmem>> -> memref<1x64xf32, #tpu.memory_space<vmem>>
      %dma_start3A_275 = arith.constant 0 : i32
      %dma_start3A_276 = tpu.memref_slice %arg5[%squeeze3A_268, %dma_start3A_275] : memref<100000x64xf32, #tpu.memory_space<hbm>> -> memref<1x64xf32, #tpu.memory_space<hbm>>
      %dma_start3A_277 = arith.constant 0 : i32
      %dma_start3A_278 = tpu.memref_slice %arg10[%add3A_272, %dma_start3A_277] : memref<256x64xf32, #tpu.memory_space<vmem>> -> memref<1x64xf32, #tpu.memory_space<vmem>>
      %dma_start3A_279 = arith.constant 0 : i32
      %dma_start3A_280 = tpu.memref_slice %arg5[%squeeze3A_268, %dma_start3A_279] : memref<100000x64xf32, #tpu.memory_space<hbm>> -> memref<1x64xf32, #tpu.memory_space<hbm>>
      tpu.enqueue_dma source(%dma_start3A_280 : memref<1x64xf32, #tpu.memory_space<hbm>>) target(%dma_start3A_278 : memref<1x64xf32, #tpu.memory_space<vmem>>) target_semaphore(%arg14 : memref<!tpu.dma_semaphore, #tpu.memory_space<semaphore_mem>>)
    }
    %scan3A_24 = arith.constant 16 : i32
    %dma_wait3A_25 = arith.constant 0 : i32
    %dma_wait3A_26 = arith.constant 0 : i32
    %dma_wait3A_27 = tpu.memref_slice %arg4[%dma_wait3A_25, %dma_wait3A_26] : memref<1000000x64xf32, #tpu.memory_space<hbm>> -> memref<256x64xf32, #tpu.memory_space<hbm>>
    %dma_wait3A_28 = arith.constant 0 : i32
    %dma_wait3A_29 = arith.constant 0 : i32
    %dma_wait3A_30 = tpu.memref_slice %arg4[%dma_wait3A_28, %dma_wait3A_29] : memref<1000000x64xf32, #tpu.memory_space<hbm>> -> memref<256x64xf32, #tpu.memory_space<hbm>>
    tpu.wait_dma2 semaphore(%arg13 : memref<!tpu.dma_semaphore, #tpu.memory_space<semaphore_mem>>) src(%dma_wait3A_30 : memref<256x64xf32, #tpu.memory_space<hbm>>) dst(%arg11 : memref<256x64xf32, #tpu.memory_space<vmem>>)
    %add3A_31 = arith.constant 256 : i32
    %add3A_32 = arith.addi %mul3A_2, %add3A_31 : i32
    "tpu.region"() ({
      %run_scoped3A = tpu.sem_alloc : memref<!tpu.dma_semaphore, #tpu.memory_space<semaphore_mem>>
      %dma_start3A = arith.constant 0 : i32
      %dma_start3A_53 = tpu.memref_slice %arg6[%add3A_32, %dma_start3A] : memref<16384x64xf32, #tpu.memory_space<hbm>> -> memref<256x64xf32, #tpu.memory_space<hbm>>
      %dma_start3A_54 = arith.constant 0 : i32
      %dma_start3A_55 = tpu.memref_slice %arg6[%add3A_32, %dma_start3A_54] : memref<16384x64xf32, #tpu.memory_space<hbm>> -> memref<256x64xf32, #tpu.memory_space<hbm>>
      tpu.enqueue_dma source(%arg11 : memref<256x64xf32, #tpu.memory_space<vmem>>) target(%dma_start3A_55 : memref<256x64xf32, #tpu.memory_space<hbm>>) target_semaphore(%run_scoped3A : memref<!tpu.dma_semaphore, #tpu.memory_space<semaphore_mem>>)
      %dma_wait3A_56 = arith.constant 0 : i32
      %dma_wait3A_57 = tpu.memref_slice %arg6[%add3A_32, %dma_wait3A_56] : memref<16384x64xf32, #tpu.memory_space<hbm>> -> memref<256x64xf32, #tpu.memory_space<hbm>>
      %dma_wait3A_58 = arith.constant 0 : i32
      %dma_wait3A_59 = tpu.memref_slice %arg6[%add3A_32, %dma_wait3A_58] : memref<16384x64xf32, #tpu.memory_space<hbm>> -> memref<256x64xf32, #tpu.memory_space<hbm>>
      tpu.wait_dma2 semaphore(%run_scoped3A : memref<!tpu.dma_semaphore, #tpu.memory_space<semaphore_mem>>) src(%arg11 : memref<256x64xf32, #tpu.memory_space<vmem>>) dst(%dma_wait3A_59 : memref<256x64xf32, #tpu.memory_space<hbm>>)
      tpu.yield
    }) : () -> ()
    %scan3A_33 = arith.constant 0 : i32
    %scan3A_34 = arith.constant 0 : i32
    %scan3A_35 = arith.constant 16 : i32
    %scan3A_36 = arith.addi %scan3A_34, %scan3A_35 : i32
    %scan3A_37 = arith.constant 1 : i32
    scf.for %scan3A_53 = %scan3A_34 to %scan3A_36 step %scan3A_37  : i32 {
      %mul3A_54 = arith.constant 16 : i32
      %mul3A_55 = arith.muli %scan3A_53, %mul3A_54 : i32
      %add3A_56 = arith.constant 256 : i32
      %add3A_57 = arith.addi %add3A_56, %mul3A_55 : i32
      %get3A = arith.index_cast %add3A_57 : i32 to index
      %get3A_58 = tpu.vector_load %arg9[%get3A] {strides = array<i32>} : memref<512xi32, #tpu.memory_space<vmem>>, vector<16xi32>,
      %get3A_59 = vector.shape_cast %get3A_58 : vector<16xi32> to vector<16xi32>
      %slice3A = vector.extract_strided_slice %get3A_59 {offsets = [0], sizes = [1], strides = [1]} : vector<16xi32> to vector<1xi32>
      %squeeze3A = vector.extract %slice3A[0] : i32 from vector<1xi32>
      %mul3A_60 = arith.constant 16 : i32
      %mul3A_61 = arith.muli %scan3A_53, %mul3A_60 : i32
      %add3A_62 = arith.constant 0 : i32
      %add3A_63 = arith.addi %mul3A_61, %add3A_62 : i32
      %dma_start3A = arith.constant 0 : i32
      %dma_start3A_64 = tpu.memref_slice %arg11[%add3A_63, %dma_start3A] : memref<256x64xf32, #tpu.memory_space<vmem>> -> memref<1x64xf32, #tpu.memory_space<vmem>>
      %dma_start3A_65 = arith.constant 0 : i32
      %dma_start3A_66 = tpu.memref_slice %arg5[%squeeze3A, %dma_start3A_65] : memref<100000x64xf32, #tpu.memory_space<hbm>> -> memref<1x64xf32, #tpu.memory_space<hbm>>
      %dma_start3A_67 = arith.constant 0 : i32
      %dma_start3A_68 = tpu.memref_slice %arg11[%add3A_63, %dma_start3A_67] : memref<256x64xf32, #tpu.memory_space<vmem>> -> memref<1x64xf32, #tpu.memory_space<vmem>>
      %dma_start3A_69 = arith.constant 0 : i32
      %dma_start3A_70 = tpu.memref_slice %arg5[%squeeze3A, %dma_start3A_69] : memref<100000x64xf32, #tpu.memory_space<hbm>> -> memref<1x64xf32, #tpu.memory_space<hbm>>
      tpu.enqueue_dma source(%dma_start3A_70 : memref<1x64xf32, #tpu.memory_space<hbm>>) target(%dma_start3A_68 : memref<1x64xf32, #tpu.memory_space<vmem>>) target_semaphore(%arg15 : memref<!tpu.dma_semaphore, #tpu.memory_space<semaphore_mem>>)
      %slice3A_71 = vector.extract_strided_slice %get3A_59 {offsets = [1], sizes = [1], strides = [1]} : vector<16xi32> to vector<1xi32>
      %squeeze3A_72 = vector.extract %slice3A_71[0] : i32 from vector<1xi32>
      %mul3A_73 = arith.constant 16 : i32
      %mul3A_74 = arith.muli %scan3A_53, %mul3A_73 : i32
      %add3A_75 = arith.constant 1 : i32
      %add3A_76 = arith.addi %mul3A_74, %add3A_75 : i32
      %dma_start3A_77 = arith.constant 0 : i32
      %dma_start3A_78 = tpu.memref_slice %arg11[%add3A_76, %dma_start3A_77] : memref<256x64xf32, #tpu.memory_space<vmem>> -> memref<1x64xf32, #tpu.memory_space<vmem>>
      %dma_start3A_79 = arith.constant 0 : i32
      %dma_start3A_80 = tpu.memref_slice %arg5[%squeeze3A_72, %dma_start3A_79] : memref<100000x64xf32, #tpu.memory_space<hbm>> -> memref<1x64xf32, #tpu.memory_space<hbm>>
      %dma_start3A_81 = arith.constant 0 : i32
      %dma_start3A_82 = tpu.memref_slice %arg11[%add3A_76, %dma_start3A_81] : memref<256x64xf32, #tpu.memory_space<vmem>> -> memref<1x64xf32, #tpu.memory_space<vmem>>
      %dma_start3A_83 = arith.constant 0 : i32
      %dma_start3A_84 = tpu.memref_slice %arg5[%squeeze3A_72, %dma_start3A_83] : memref<100000x64xf32, #tpu.memory_space<hbm>> -> memref<1x64xf32, #tpu.memory_space<hbm>>
      tpu.enqueue_dma source(%dma_start3A_84 : memref<1x64xf32, #tpu.memory_space<hbm>>) target(%dma_start3A_82 : memref<1x64xf32, #tpu.memory_space<vmem>>) target_semaphore(%arg15 : memref<!tpu.dma_semaphore, #tpu.memory_space<semaphore_mem>>)
      %slice3A_85 = vector.extract_strided_slice %get3A_59 {offsets = [2], sizes = [1], strides = [1]} : vector<16xi32> to vector<1xi32>
      %squeeze3A_86 = vector.extract %slice3A_85[0] : i32 from vector<1xi32>
      %mul3A_87 = arith.constant 16 : i32
      %mul3A_88 = arith.muli %scan3A_53, %mul3A_87 : i32
      %add3A_89 = arith.constant 2 : i32
      %add3A_90 = arith.addi %mul3A_88, %add3A_89 : i32
      %dma_start3A_91 = arith.constant 0 : i32
      %dma_start3A_92 = tpu.memref_slice %arg11[%add3A_90, %dma_start3A_91] : memref<256x64xf32, #tpu.memory_space<vmem>> -> memref<1x64xf32, #tpu.memory_space<vmem>>
      %dma_start3A_93 = arith.constant 0 : i32
      %dma_start3A_94 = tpu.memref_slice %arg5[%squeeze3A_86, %dma_start3A_93] : memref<100000x64xf32, #tpu.memory_space<hbm>> -> memref<1x64xf32, #tpu.memory_space<hbm>>
      %dma_start3A_95 = arith.constant 0 : i32
      %dma_start3A_96 = tpu.memref_slice %arg11[%add3A_90, %dma_start3A_95] : memref<256x64xf32, #tpu.memory_space<vmem>> -> memref<1x64xf32, #tpu.memory_space<vmem>>
      %dma_start3A_97 = arith.constant 0 : i32
      %dma_start3A_98 = tpu.memref_slice %arg5[%squeeze3A_86, %dma_start3A_97] : memref<100000x64xf32, #tpu.memory_space<hbm>> -> memref<1x64xf32, #tpu.memory_space<hbm>>
      tpu.enqueue_dma source(%dma_start3A_98 : memref<1x64xf32, #tpu.memory_space<hbm>>) target(%dma_start3A_96 : memref<1x64xf32, #tpu.memory_space<vmem>>) target_semaphore(%arg15 : memref<!tpu.dma_semaphore, #tpu.memory_space<semaphore_mem>>)
      %slice3A_99 = vector.extract_strided_slice %get3A_59 {offsets = [3], sizes = [1], strides = [1]} : vector<16xi32> to vector<1xi32>
      %squeeze3A_100 = vector.extract %slice3A_99[0] : i32 from vector<1xi32>
      %mul3A_101 = arith.constant 16 : i32
      %mul3A_102 = arith.muli %scan3A_53, %mul3A_101 : i32
      %add3A_103 = arith.constant 3 : i32
      %add3A_104 = arith.addi %mul3A_102, %add3A_103 : i32
      %dma_start3A_105 = arith.constant 0 : i32
      %dma_start3A_106 = tpu.memref_slice %arg11[%add3A_104, %dma_start3A_105] : memref<256x64xf32, #tpu.memory_space<vmem>> -> memref<1x64xf32, #tpu.memory_space<vmem>>
      %dma_start3A_107 = arith.constant 0 : i32
      %dma_start3A_108 = tpu.memref_slice %arg5[%squeeze3A_100, %dma_start3A_107] : memref<100000x64xf32, #tpu.memory_space<hbm>> -> memref<1x64xf32, #tpu.memory_space<hbm>>
      %dma_start3A_109 = arith.constant 0 : i32
      %dma_start3A_110 = tpu.memref_slice %arg11[%add3A_104, %dma_start3A_109] : memref<256x64xf32, #tpu.memory_space<vmem>> -> memref<1x64xf32, #tpu.memory_space<vmem>>
      %dma_start3A_111 = arith.constant 0 : i32
      %dma_start3A_112 = tpu.memref_slice %arg5[%squeeze3A_100, %dma_start3A_111] : memref<100000x64xf32, #tpu.memory_space<hbm>> -> memref<1x64xf32, #tpu.memory_space<hbm>>
      tpu.enqueue_dma source(%dma_start3A_112 : memref<1x64xf32, #tpu.memory_space<hbm>>) target(%dma_start3A_110 : memref<1x64xf32, #tpu.memory_space<vmem>>) target_semaphore(%arg15 : memref<!tpu.dma_semaphore, #tpu.memory_space<semaphore_mem>>)
      %slice3A_113 = vector.extract_strided_slice %get3A_59 {offsets = [4], sizes = [1], strides = [1]} : vector<16xi32> to vector<1xi32>
      %squeeze3A_114 = vector.extract %slice3A_113[0] : i32 from vector<1xi32>
      %mul3A_115 = arith.constant 16 : i32
      %mul3A_116 = arith.muli %scan3A_53, %mul3A_115 : i32
      %add3A_117 = arith.constant 4 : i32
      %add3A_118 = arith.addi %mul3A_116, %add3A_117 : i32
      %dma_start3A_119 = arith.constant 0 : i32
      %dma_start3A_120 = tpu.memref_slice %arg11[%add3A_118, %dma_start3A_119] : memref<256x64xf32, #tpu.memory_space<vmem>> -> memref<1x64xf32, #tpu.memory_space<vmem>>
      %dma_start3A_121 = arith.constant 0 : i32
      %dma_start3A_122 = tpu.memref_slice %arg5[%squeeze3A_114, %dma_start3A_121] : memref<100000x64xf32, #tpu.memory_space<hbm>> -> memref<1x64xf32, #tpu.memory_space<hbm>>
      %dma_start3A_123 = arith.constant 0 : i32
      %dma_start3A_124 = tpu.memref_slice %arg11[%add3A_118, %dma_start3A_123] : memref<256x64xf32, #tpu.memory_space<vmem>> -> memref<1x64xf32, #tpu.memory_space<vmem>>
      %dma_start3A_125 = arith.constant 0 : i32
      %dma_start3A_126 = tpu.memref_slice %arg5[%squeeze3A_114, %dma_start3A_125] : memref<100000x64xf32, #tpu.memory_space<hbm>> -> memref<1x64xf32, #tpu.memory_space<hbm>>
      tpu.enqueue_dma source(%dma_start3A_126 : memref<1x64xf32, #tpu.memory_space<hbm>>) target(%dma_start3A_124 : memref<1x64xf32, #tpu.memory_space<vmem>>) target_semaphore(%arg15 : memref<!tpu.dma_semaphore, #tpu.memory_space<semaphore_mem>>)
      %slice3A_127 = vector.extract_strided_slice %get3A_59 {offsets = [5], sizes = [1], strides = [1]} : vector<16xi32> to vector<1xi32>
      %squeeze3A_128 = vector.extract %slice3A_127[0] : i32 from vector<1xi32>
      %mul3A_129 = arith.constant 16 : i32
      %mul3A_130 = arith.muli %scan3A_53, %mul3A_129 : i32
      %add3A_131 = arith.constant 5 : i32
      %add3A_132 = arith.addi %mul3A_130, %add3A_131 : i32
      %dma_start3A_133 = arith.constant 0 : i32
      %dma_start3A_134 = tpu.memref_slice %arg11[%add3A_132, %dma_start3A_133] : memref<256x64xf32, #tpu.memory_space<vmem>> -> memref<1x64xf32, #tpu.memory_space<vmem>>
      %dma_start3A_135 = arith.constant 0 : i32
      %dma_start3A_136 = tpu.memref_slice %arg5[%squeeze3A_128, %dma_start3A_135] : memref<100000x64xf32, #tpu.memory_space<hbm>> -> memref<1x64xf32, #tpu.memory_space<hbm>>
      %dma_start3A_137 = arith.constant 0 : i32
      %dma_start3A_138 = tpu.memref_slice %arg11[%add3A_132, %dma_start3A_137] : memref<256x64xf32, #tpu.memory_space<vmem>> -> memref<1x64xf32, #tpu.memory_space<vmem>>
      %dma_start3A_139 = arith.constant 0 : i32
      %dma_start3A_140 = tpu.memref_slice %arg5[%squeeze3A_128, %dma_start3A_139] : memref<100000x64xf32, #tpu.memory_space<hbm>> -> memref<1x64xf32, #tpu.memory_space<hbm>>
      tpu.enqueue_dma source(%dma_start3A_140 : memref<1x64xf32, #tpu.memory_space<hbm>>) target(%dma_start3A_138 : memref<1x64xf32, #tpu.memory_space<vmem>>) target_semaphore(%arg15 : memref<!tpu.dma_semaphore, #tpu.memory_space<semaphore_mem>>)
      %slice3A_141 = vector.extract_strided_slice %get3A_59 {offsets = [6], sizes = [1], strides = [1]} : vector<16xi32> to vector<1xi32>
      %squeeze3A_142 = vector.extract %slice3A_141[0] : i32 from vector<1xi32>
      %mul3A_143 = arith.constant 16 : i32
      %mul3A_144 = arith.muli %scan3A_53, %mul3A_143 : i32
      %add3A_145 = arith.constant 6 : i32
      %add3A_146 = arith.addi %mul3A_144, %add3A_145 : i32
      %dma_start3A_147 = arith.constant 0 : i32
      %dma_start3A_148 = tpu.memref_slice %arg11[%add3A_146, %dma_start3A_147] : memref<256x64xf32, #tpu.memory_space<vmem>> -> memref<1x64xf32, #tpu.memory_space<vmem>>
      %dma_start3A_149 = arith.constant 0 : i32
      %dma_start3A_150 = tpu.memref_slice %arg5[%squeeze3A_142, %dma_start3A_149] : memref<100000x64xf32, #tpu.memory_space<hbm>> -> memref<1x64xf32, #tpu.memory_space<hbm>>
      %dma_start3A_151 = arith.constant 0 : i32
      %dma_start3A_152 = tpu.memref_slice %arg11[%add3A_146, %dma_start3A_151] : memref<256x64xf32, #tpu.memory_space<vmem>> -> memref<1x64xf32, #tpu.memory_space<vmem>>
      %dma_start3A_153 = arith.constant 0 : i32
      %dma_start3A_154 = tpu.memref_slice %arg5[%squeeze3A_142, %dma_start3A_153] : memref<100000x64xf32, #tpu.memory_space<hbm>> -> memref<1x64xf32, #tpu.memory_space<hbm>>
      tpu.enqueue_dma source(%dma_start3A_154 : memref<1x64xf32, #tpu.memory_space<hbm>>) target(%dma_start3A_152 : memref<1x64xf32, #tpu.memory_space<vmem>>) target_semaphore(%arg15 : memref<!tpu.dma_semaphore, #tpu.memory_space<semaphore_mem>>)
      %slice3A_155 = vector.extract_strided_slice %get3A_59 {offsets = [7], sizes = [1], strides = [1]} : vector<16xi32> to vector<1xi32>
      %squeeze3A_156 = vector.extract %slice3A_155[0] : i32 from vector<1xi32>
      %mul3A_157 = arith.constant 16 : i32
      %mul3A_158 = arith.muli %scan3A_53, %mul3A_157 : i32
      %add3A_159 = arith.constant 7 : i32
      %add3A_160 = arith.addi %mul3A_158, %add3A_159 : i32
      %dma_start3A_161 = arith.constant 0 : i32
      %dma_start3A_162 = tpu.memref_slice %arg11[%add3A_160, %dma_start3A_161] : memref<256x64xf32, #tpu.memory_space<vmem>> -> memref<1x64xf32, #tpu.memory_space<vmem>>
      %dma_start3A_163 = arith.constant 0 : i32
      %dma_start3A_164 = tpu.memref_slice %arg5[%squeeze3A_156, %dma_start3A_163] : memref<100000x64xf32, #tpu.memory_space<hbm>> -> memref<1x64xf32, #tpu.memory_space<hbm>>
      %dma_start3A_165 = arith.constant 0 : i32
      %dma_start3A_166 = tpu.memref_slice %arg11[%add3A_160, %dma_start3A_165] : memref<256x64xf32, #tpu.memory_space<vmem>> -> memref<1x64xf32, #tpu.memory_space<vmem>>
      %dma_start3A_167 = arith.constant 0 : i32
      %dma_start3A_168 = tpu.memref_slice %arg5[%squeeze3A_156, %dma_start3A_167] : memref<100000x64xf32, #tpu.memory_space<hbm>> -> memref<1x64xf32, #tpu.memory_space<hbm>>
      tpu.enqueue_dma source(%dma_start3A_168 : memref<1x64xf32, #tpu.memory_space<hbm>>) target(%dma_start3A_166 : memref<1x64xf32, #tpu.memory_space<vmem>>) target_semaphore(%arg15 : memref<!tpu.dma_semaphore, #tpu.memory_space<semaphore_mem>>)
      %slice3A_169 = vector.extract_strided_slice %get3A_59 {offsets = [8], sizes = [1], strides = [1]} : vector<16xi32> to vector<1xi32>
      %squeeze3A_170 = vector.extract %slice3A_169[0] : i32 from vector<1xi32>
      %mul3A_171 = arith.constant 16 : i32
      %mul3A_172 = arith.muli %scan3A_53, %mul3A_171 : i32
      %add3A_173 = arith.constant 8 : i32
      %add3A_174 = arith.addi %mul3A_172, %add3A_173 : i32
      %dma_start3A_175 = arith.constant 0 : i32
      %dma_start3A_176 = tpu.memref_slice %arg11[%add3A_174, %dma_start3A_175] : memref<256x64xf32, #tpu.memory_space<vmem>> -> memref<1x64xf32, #tpu.memory_space<vmem>>
      %dma_start3A_177 = arith.constant 0 : i32
      %dma_start3A_178 = tpu.memref_slice %arg5[%squeeze3A_170, %dma_start3A_177] : memref<100000x64xf32, #tpu.memory_space<hbm>> -> memref<1x64xf32, #tpu.memory_space<hbm>>
      %dma_start3A_179 = arith.constant 0 : i32
      %dma_start3A_180 = tpu.memref_slice %arg11[%add3A_174, %dma_start3A_179] : memref<256x64xf32, #tpu.memory_space<vmem>> -> memref<1x64xf32, #tpu.memory_space<vmem>>
      %dma_start3A_181 = arith.constant 0 : i32
      %dma_start3A_182 = tpu.memref_slice %arg5[%squeeze3A_170, %dma_start3A_181] : memref<100000x64xf32, #tpu.memory_space<hbm>> -> memref<1x64xf32, #tpu.memory_space<hbm>>
      tpu.enqueue_dma source(%dma_start3A_182 : memref<1x64xf32, #tpu.memory_space<hbm>>) target(%dma_start3A_180 : memref<1x64xf32, #tpu.memory_space<vmem>>) target_semaphore(%arg15 : memref<!tpu.dma_semaphore, #tpu.memory_space<semaphore_mem>>)
      %slice3A_183 = vector.extract_strided_slice %get3A_59 {offsets = [9], sizes = [1], strides = [1]} : vector<16xi32> to vector<1xi32>
      %squeeze3A_184 = vector.extract %slice3A_183[0] : i32 from vector<1xi32>
      %mul3A_185 = arith.constant 16 : i32
      %mul3A_186 = arith.muli %scan3A_53, %mul3A_185 : i32
      %add3A_187 = arith.constant 9 : i32
      %add3A_188 = arith.addi %mul3A_186, %add3A_187 : i32
      %dma_start3A_189 = arith.constant 0 : i32
      %dma_start3A_190 = tpu.memref_slice %arg11[%add3A_188, %dma_start3A_189] : memref<256x64xf32, #tpu.memory_space<vmem>> -> memref<1x64xf32, #tpu.memory_space<vmem>>
      %dma_start3A_191 = arith.constant 0 : i32
      %dma_start3A_192 = tpu.memref_slice %arg5[%squeeze3A_184, %dma_start3A_191] : memref<100000x64xf32, #tpu.memory_space<hbm>> -> memref<1x64xf32, #tpu.memory_space<hbm>>
      %dma_start3A_193 = arith.constant 0 : i32
      %dma_start3A_194 = tpu.memref_slice %arg11[%add3A_188, %dma_start3A_193] : memref<256x64xf32, #tpu.memory_space<vmem>> -> memref<1x64xf32, #tpu.memory_space<vmem>>
      %dma_start3A_195 = arith.constant 0 : i32
      %dma_start3A_196 = tpu.memref_slice %arg5[%squeeze3A_184, %dma_start3A_195] : memref<100000x64xf32, #tpu.memory_space<hbm>> -> memref<1x64xf32, #tpu.memory_space<hbm>>
      tpu.enqueue_dma source(%dma_start3A_196 : memref<1x64xf32, #tpu.memory_space<hbm>>) target(%dma_start3A_194 : memref<1x64xf32, #tpu.memory_space<vmem>>) target_semaphore(%arg15 : memref<!tpu.dma_semaphore, #tpu.memory_space<semaphore_mem>>)
      %slice3A_197 = vector.extract_strided_slice %get3A_59 {offsets = [10], sizes = [1], strides = [1]} : vector<16xi32> to vector<1xi32>
      %squeeze3A_198 = vector.extract %slice3A_197[0] : i32 from vector<1xi32>
      %mul3A_199 = arith.constant 16 : i32
      %mul3A_200 = arith.muli %scan3A_53, %mul3A_199 : i32
      %add3A_201 = arith.constant 10 : i32
      %add3A_202 = arith.addi %mul3A_200, %add3A_201 : i32
      %dma_start3A_203 = arith.constant 0 : i32
      %dma_start3A_204 = tpu.memref_slice %arg11[%add3A_202, %dma_start3A_203] : memref<256x64xf32, #tpu.memory_space<vmem>> -> memref<1x64xf32, #tpu.memory_space<vmem>>
      %dma_start3A_205 = arith.constant 0 : i32
      %dma_start3A_206 = tpu.memref_slice %arg5[%squeeze3A_198, %dma_start3A_205] : memref<100000x64xf32, #tpu.memory_space<hbm>> -> memref<1x64xf32, #tpu.memory_space<hbm>>
      %dma_start3A_207 = arith.constant 0 : i32
      %dma_start3A_208 = tpu.memref_slice %arg11[%add3A_202, %dma_start3A_207] : memref<256x64xf32, #tpu.memory_space<vmem>> -> memref<1x64xf32, #tpu.memory_space<vmem>>
      %dma_start3A_209 = arith.constant 0 : i32
      %dma_start3A_210 = tpu.memref_slice %arg5[%squeeze3A_198, %dma_start3A_209] : memref<100000x64xf32, #tpu.memory_space<hbm>> -> memref<1x64xf32, #tpu.memory_space<hbm>>
      tpu.enqueue_dma source(%dma_start3A_210 : memref<1x64xf32, #tpu.memory_space<hbm>>) target(%dma_start3A_208 : memref<1x64xf32, #tpu.memory_space<vmem>>) target_semaphore(%arg15 : memref<!tpu.dma_semaphore, #tpu.memory_space<semaphore_mem>>)
      %slice3A_211 = vector.extract_strided_slice %get3A_59 {offsets = [11], sizes = [1], strides = [1]} : vector<16xi32> to vector<1xi32>
      %squeeze3A_212 = vector.extract %slice3A_211[0] : i32 from vector<1xi32>
      %mul3A_213 = arith.constant 16 : i32
      %mul3A_214 = arith.muli %scan3A_53, %mul3A_213 : i32
      %add3A_215 = arith.constant 11 : i32
      %add3A_216 = arith.addi %mul3A_214, %add3A_215 : i32
      %dma_start3A_217 = arith.constant 0 : i32
      %dma_start3A_218 = tpu.memref_slice %arg11[%add3A_216, %dma_start3A_217] : memref<256x64xf32, #tpu.memory_space<vmem>> -> memref<1x64xf32, #tpu.memory_space<vmem>>
      %dma_start3A_219 = arith.constant 0 : i32
      %dma_start3A_220 = tpu.memref_slice %arg5[%squeeze3A_212, %dma_start3A_219] : memref<100000x64xf32, #tpu.memory_space<hbm>> -> memref<1x64xf32, #tpu.memory_space<hbm>>
      %dma_start3A_221 = arith.constant 0 : i32
      %dma_start3A_222 = tpu.memref_slice %arg11[%add3A_216, %dma_start3A_221] : memref<256x64xf32, #tpu.memory_space<vmem>> -> memref<1x64xf32, #tpu.memory_space<vmem>>
      %dma_start3A_223 = arith.constant 0 : i32
      %dma_start3A_224 = tpu.memref_slice %arg5[%squeeze3A_212, %dma_start3A_223] : memref<100000x64xf32, #tpu.memory_space<hbm>> -> memref<1x64xf32, #tpu.memory_space<hbm>>
      tpu.enqueue_dma source(%dma_start3A_224 : memref<1x64xf32, #tpu.memory_space<hbm>>) target(%dma_start3A_222 : memref<1x64xf32, #tpu.memory_space<vmem>>) target_semaphore(%arg15 : memref<!tpu.dma_semaphore, #tpu.memory_space<semaphore_mem>>)
      %slice3A_225 = vector.extract_strided_slice %get3A_59 {offsets = [12], sizes = [1], strides = [1]} : vector<16xi32> to vector<1xi32>
      %squeeze3A_226 = vector.extract %slice3A_225[0] : i32 from vector<1xi32>
      %mul3A_227 = arith.constant 16 : i32
      %mul3A_228 = arith.muli %scan3A_53, %mul3A_227 : i32
      %add3A_229 = arith.constant 12 : i32
      %add3A_230 = arith.addi %mul3A_228, %add3A_229 : i32
      %dma_start3A_231 = arith.constant 0 : i32
      %dma_start3A_232 = tpu.memref_slice %arg11[%add3A_230, %dma_start3A_231] : memref<256x64xf32, #tpu.memory_space<vmem>> -> memref<1x64xf32, #tpu.memory_space<vmem>>
      %dma_start3A_233 = arith.constant 0 : i32
      %dma_start3A_234 = tpu.memref_slice %arg5[%squeeze3A_226, %dma_start3A_233] : memref<100000x64xf32, #tpu.memory_space<hbm>> -> memref<1x64xf32, #tpu.memory_space<hbm>>
      %dma_start3A_235 = arith.constant 0 : i32
      %dma_start3A_236 = tpu.memref_slice %arg11[%add3A_230, %dma_start3A_235] : memref<256x64xf32, #tpu.memory_space<vmem>> -> memref<1x64xf32, #tpu.memory_space<vmem>>
      %dma_start3A_237 = arith.constant 0 : i32
      %dma_start3A_238 = tpu.memref_slice %arg5[%squeeze3A_226, %dma_start3A_237] : memref<100000x64xf32, #tpu.memory_space<hbm>> -> memref<1x64xf32, #tpu.memory_space<hbm>>
      tpu.enqueue_dma source(%dma_start3A_238 : memref<1x64xf32, #tpu.memory_space<hbm>>) target(%dma_start3A_236 : memref<1x64xf32, #tpu.memory_space<vmem>>) target_semaphore(%arg15 : memref<!tpu.dma_semaphore, #tpu.memory_space<semaphore_mem>>)
      %slice3A_239 = vector.extract_strided_slice %get3A_59 {offsets = [13], sizes = [1], strides = [1]} : vector<16xi32> to vector<1xi32>
      %squeeze3A_240 = vector.extract %slice3A_239[0] : i32 from vector<1xi32>
      %mul3A_241 = arith.constant 16 : i32
      %mul3A_242 = arith.muli %scan3A_53, %mul3A_241 : i32
      %add3A_243 = arith.constant 13 : i32
      %add3A_244 = arith.addi %mul3A_242, %add3A_243 : i32
      %dma_start3A_245 = arith.constant 0 : i32
      %dma_start3A_246 = tpu.memref_slice %arg11[%add3A_244, %dma_start3A_245] : memref<256x64xf32, #tpu.memory_space<vmem>> -> memref<1x64xf32, #tpu.memory_space<vmem>>
      %dma_start3A_247 = arith.constant 0 : i32
      %dma_start3A_248 = tpu.memref_slice %arg5[%squeeze3A_240, %dma_start3A_247] : memref<100000x64xf32, #tpu.memory_space<hbm>> -> memref<1x64xf32, #tpu.memory_space<hbm>>
      %dma_start3A_249 = arith.constant 0 : i32
      %dma_start3A_250 = tpu.memref_slice %arg11[%add3A_244, %dma_start3A_249] : memref<256x64xf32, #tpu.memory_space<vmem>> -> memref<1x64xf32, #tpu.memory_space<vmem>>
      %dma_start3A_251 = arith.constant 0 : i32
      %dma_start3A_252 = tpu.memref_slice %arg5[%squeeze3A_240, %dma_start3A_251] : memref<100000x64xf32, #tpu.memory_space<hbm>> -> memref<1x64xf32, #tpu.memory_space<hbm>>
      tpu.enqueue_dma source(%dma_start3A_252 : memref<1x64xf32, #tpu.memory_space<hbm>>) target(%dma_start3A_250 : memref<1x64xf32, #tpu.memory_space<vmem>>) target_semaphore(%arg15 : memref<!tpu.dma_semaphore, #tpu.memory_space<semaphore_mem>>)
      %slice3A_253 = vector.extract_strided_slice %get3A_59 {offsets = [14], sizes = [1], strides = [1]} : vector<16xi32> to vector<1xi32>
      %squeeze3A_254 = vector.extract %slice3A_253[0] : i32 from vector<1xi32>
      %mul3A_255 = arith.constant 16 : i32
      %mul3A_256 = arith.muli %scan3A_53, %mul3A_255 : i32
      %add3A_257 = arith.constant 14 : i32
      %add3A_258 = arith.addi %mul3A_256, %add3A_257 : i32
      %dma_start3A_259 = arith.constant 0 : i32
      %dma_start3A_260 = tpu.memref_slice %arg11[%add3A_258, %dma_start3A_259] : memref<256x64xf32, #tpu.memory_space<vmem>> -> memref<1x64xf32, #tpu.memory_space<vmem>>
      %dma_start3A_261 = arith.constant 0 : i32
      %dma_start3A_262 = tpu.memref_slice %arg5[%squeeze3A_254, %dma_start3A_261] : memref<100000x64xf32, #tpu.memory_space<hbm>> -> memref<1x64xf32, #tpu.memory_space<hbm>>
      %dma_start3A_263 = arith.constant 0 : i32
      %dma_start3A_264 = tpu.memref_slice %arg11[%add3A_258, %dma_start3A_263] : memref<256x64xf32, #tpu.memory_space<vmem>> -> memref<1x64xf32, #tpu.memory_space<vmem>>
      %dma_start3A_265 = arith.constant 0 : i32
      %dma_start3A_266 = tpu.memref_slice %arg5[%squeeze3A_254, %dma_start3A_265] : memref<100000x64xf32, #tpu.memory_space<hbm>> -> memref<1x64xf32, #tpu.memory_space<hbm>>
      tpu.enqueue_dma source(%dma_start3A_266 : memref<1x64xf32, #tpu.memory_space<hbm>>) target(%dma_start3A_264 : memref<1x64xf32, #tpu.memory_space<vmem>>) target_semaphore(%arg15 : memref<!tpu.dma_semaphore, #tpu.memory_space<semaphore_mem>>)
      %slice3A_267 = vector.extract_strided_slice %get3A_59 {offsets = [15], sizes = [1], strides = [1]} : vector<16xi32> to vector<1xi32>
      %squeeze3A_268 = vector.extract %slice3A_267[0] : i32 from vector<1xi32>
      %mul3A_269 = arith.constant 16 : i32
      %mul3A_270 = arith.muli %scan3A_53, %mul3A_269 : i32
      %add3A_271 = arith.constant 15 : i32
      %add3A_272 = arith.addi %mul3A_270, %add3A_271 : i32
      %dma_start3A_273 = arith.constant 0 : i32
      %dma_start3A_274 = tpu.memref_slice %arg11[%add3A_272, %dma_start3A_273] : memref<256x64xf32, #tpu.memory_space<vmem>> -> memref<1x64xf32, #tpu.memory_space<vmem>>
      %dma_start3A_275 = arith.constant 0 : i32
      %dma_start3A_276 = tpu.memref_slice %arg5[%squeeze3A_268, %dma_start3A_275] : memref<100000x64xf32, #tpu.memory_space<hbm>> -> memref<1x64xf32, #tpu.memory_space<hbm>>
      %dma_start3A_277 = arith.constant 0 : i32
      %dma_start3A_278 = tpu.memref_slice %arg11[%add3A_272, %dma_start3A_277] : memref<256x64xf32, #tpu.memory_space<vmem>> -> memref<1x64xf32, #tpu.memory_space<vmem>>
      %dma_start3A_279 = arith.constant 0 : i32
      %dma_start3A_280 = tpu.memref_slice %arg5[%squeeze3A_268, %dma_start3A_279] : memref<100000x64xf32, #tpu.memory_space<hbm>> -> memref<1x64xf32, #tpu.memory_space<hbm>>
      tpu.enqueue_dma source(%dma_start3A_280 : memref<1x64xf32, #tpu.memory_space<hbm>>) target(%dma_start3A_278 : memref<1x64xf32, #tpu.memory_space<vmem>>) target_semaphore(%arg15 : memref<!tpu.dma_semaphore, #tpu.memory_space<semaphore_mem>>)
    }
    %scan3A_38 = arith.constant 16 : i32
    %dma_wait3A_39 = arith.constant 0 : i32
    %dma_wait3A_40 = arith.constant 0 : i32
    %dma_wait3A_41 = tpu.memref_slice %arg4[%dma_wait3A_39, %dma_wait3A_40] : memref<1000000x64xf32, #tpu.memory_space<hbm>> -> memref<256x64xf32, #tpu.memory_space<hbm>>
    %dma_wait3A_42 = arith.constant 0 : i32
    %dma_wait3A_43 = arith.constant 0 : i32
    %dma_wait3A_44 = tpu.memref_slice %arg4[%dma_wait3A_42, %dma_wait3A_43] : memref<1000000x64xf32, #tpu.memory_space<hbm>> -> memref<256x64xf32, #tpu.memory_space<hbm>>
    tpu.wait_dma2 semaphore(%arg14 : memref<!tpu.dma_semaphore, #tpu.memory_space<semaphore_mem>>) src(%dma_wait3A_44 : memref<256x64xf32, #tpu.memory_space<hbm>>) dst(%arg10 : memref<256x64xf32, #tpu.memory_space<vmem>>)
    "tpu.region"() ({
      %run_scoped3A = tpu.sem_alloc : memref<!tpu.dma_semaphore, #tpu.memory_space<semaphore_mem>>
      %dma_start3A = arith.constant 0 : i32
      %dma_start3A_53 = tpu.memref_slice %arg7[%mul3A_2, %dma_start3A] : memref<16384x64xf32, #tpu.memory_space<hbm>> -> memref<256x64xf32, #tpu.memory_space<hbm>>
      %dma_start3A_54 = arith.constant 0 : i32
      %dma_start3A_55 = tpu.memref_slice %arg7[%mul3A_2, %dma_start3A_54] : memref<16384x64xf32, #tpu.memory_space<hbm>> -> memref<256x64xf32, #tpu.memory_space<hbm>>
      tpu.enqueue_dma source(%arg10 : memref<256x64xf32, #tpu.memory_space<vmem>>) target(%dma_start3A_55 : memref<256x64xf32, #tpu.memory_space<hbm>>) target_semaphore(%run_scoped3A : memref<!tpu.dma_semaphore, #tpu.memory_space<semaphore_mem>>)
      %dma_wait3A_56 = arith.constant 0 : i32
      %dma_wait3A_57 = tpu.memref_slice %arg7[%mul3A_2, %dma_wait3A_56] : memref<16384x64xf32, #tpu.memory_space<hbm>> -> memref<256x64xf32, #tpu.memory_space<hbm>>
      %dma_wait3A_58 = arith.constant 0 : i32
      %dma_wait3A_59 = tpu.memref_slice %arg7[%mul3A_2, %dma_wait3A_58] : memref<16384x64xf32, #tpu.memory_space<hbm>> -> memref<256x64xf32, #tpu.memory_space<hbm>>
      tpu.wait_dma2 semaphore(%run_scoped3A : memref<!tpu.dma_semaphore, #tpu.memory_space<semaphore_mem>>) src(%arg10 : memref<256x64xf32, #tpu.memory_space<vmem>>) dst(%dma_wait3A_59 : memref<256x64xf32, #tpu.memory_space<hbm>>)
      tpu.yield
    }) : () -> ()
    %dma_wait3A_45 = arith.constant 0 : i32
    %dma_wait3A_46 = arith.constant 0 : i32
    %dma_wait3A_47 = tpu.memref_slice %arg4[%dma_wait3A_45, %dma_wait3A_46] : memref<1000000x64xf32, #tpu.memory_space<hbm>> -> memref<256x64xf32, #tpu.memory_space<hbm>>
    %dma_wait3A_48 = arith.constant 0 : i32
    %dma_wait3A_49 = arith.constant 0 : i32
    %dma_wait3A_50 = tpu.memref_slice %arg4[%dma_wait3A_48, %dma_wait3A_49] : memref<1000000x64xf32, #tpu.memory_space<hbm>> -> memref<256x64xf32, #tpu.memory_space<hbm>>
    tpu.wait_dma2 semaphore(%arg15 : memref<!tpu.dma_semaphore, #tpu.memory_space<semaphore_mem>>) src(%dma_wait3A_50 : memref<256x64xf32, #tpu.memory_space<hbm>>) dst(%arg11 : memref<256x64xf32, #tpu.memory_space<vmem>>)
    %add3A_51 = arith.constant 256 : i32
    %add3A_52 = arith.addi %mul3A_2, %add3A_51 : i32
    "tpu.region"() ({
      %run_scoped3A = tpu.sem_alloc : memref<!tpu.dma_semaphore, #tpu.memory_space<semaphore_mem>>
      %dma_start3A = arith.constant 0 : i32
      %dma_start3A_53 = tpu.memref_slice %arg7[%add3A_52, %dma_start3A] : memref<16384x64xf32, #tpu.memory_space<hbm>> -> memref<256x64xf32, #tpu.memory_space<hbm>>
      %dma_start3A_54 = arith.constant 0 : i32
      %dma_start3A_55 = tpu.memref_slice %arg7[%add3A_52, %dma_start3A_54] : memref<16384x64xf32, #tpu.memory_space<hbm>> -> memref<256x64xf32, #tpu.memory_space<hbm>>
      tpu.enqueue_dma source(%arg11 : memref<256x64xf32, #tpu.memory_space<vmem>>) target(%dma_start3A_55 : memref<256x64xf32, #tpu.memory_space<hbm>>) target_semaphore(%run_scoped3A : memref<!tpu.dma_semaphore, #tpu.memory_space<semaphore_mem>>)
      %dma_wait3A_56 = arith.constant 0 : i32
      %dma_wait3A_57 = tpu.memref_slice %arg7[%add3A_52, %dma_wait3A_56] : memref<16384x64xf32, #tpu.memory_space<hbm>> -> memref<256x64xf32, #tpu.memory_space<hbm>>
      %dma_wait3A_58 = arith.constant 0 : i32
      %dma_wait3A_59 = tpu.memref_slice %arg7[%add3A_52, %dma_wait3A_58] : memref<16384x64xf32, #tpu.memory_space<hbm>> -> memref<256x64xf32, #tpu.memory_space<hbm>>
      tpu.wait_dma2 semaphore(%run_scoped3A : memref<!tpu.dma_semaphore, #tpu.memory_space<semaphore_mem>>) src(%arg11 : memref<256x64xf32, #tpu.memory_space<vmem>>) dst(%dma_wait3A_59 : memref<256x64xf32, #tpu.memory_space<hbm>>)
      tpu.yield
    }) : () -> ()
    return
  }
}

module attributes {stable_mosaic.version = 14 : i64} {
  func.func @_mlp_body(%arg0: i32, %arg1: memref<2048x64xf32, #tpu.memory_space<vmem>>, %arg2: memref<2048x64xf32, #tpu.memory_space<vmem>>, %arg3: memref<64x256xf32, #tpu.memory_space<vmem>>, %arg4: memref<64x256xf32, #tpu.memory_space<vmem>>, %arg5: memref<1x256xf32, #tpu.memory_space<vmem>>, %arg6: memref<1x256xf32, #tpu.memory_space<vmem>>, %arg7: memref<1x1xf32, #tpu.memory_space<vmem>>, %arg8: memref<2048x1xf32, #tpu.memory_space<vmem>>) attributes {dimension_semantics = [#tpu.dimension_semantics<arbitrary>], iteration_bounds = array<i64: 8>, scalar_prefetch = 0 : i64, scratch_operands = 0 : i64, tpu.core_type = #tpu.core_type<tc>, window_params = [{transform_indices = @transform_0, window_bounds = array<i64: 2048, 64>}, {transform_indices = @transform_1, window_bounds = array<i64: 2048, 64>}, {pipeline_mode = #tpu.pipeline_mode<synchronous>, transform_indices = @transform_2, window_bounds = array<i64: 64, 256>}, {pipeline_mode = #tpu.pipeline_mode<synchronous>, transform_indices = @transform_3, window_bounds = array<i64: 64, 256>}, {pipeline_mode = #tpu.pipeline_mode<synchronous>, transform_indices = @transform_4, window_bounds = array<i64: 1, 256>}, {pipeline_mode = #tpu.pipeline_mode<synchronous>, transform_indices = @transform_5, window_bounds = array<i64: 1, 256>}, {pipeline_mode = #tpu.pipeline_mode<synchronous>, transform_indices = @transform_6, window_bounds = array<i64: 1, 1>}, {transform_indices = @transform_7, window_bounds = array<i64: 2048, 1>}]} {
    %get3A = arith.constant 0 : index
    %get3A_0 = arith.constant 0 : index
    %get3A_1 = vector.load %arg1[%get3A, %get3A_0] : memref<2048x64xf32, #tpu.memory_space<vmem>>, vector<2048x64xf32>
    %get3A_2 = arith.constant 0 : index
    %get3A_3 = arith.constant 0 : index
    %get3A_4 = vector.load %arg3[%get3A_2, %get3A_3] : memref<64x256xf32, #tpu.memory_space<vmem>>, vector<64x256xf32>
    %dot_general3A = arith.constant dense<0.000000e+00> : vector<2048x256xf32>
    %dot_general3A_5 = tpu.matmul %get3A_1, %get3A_4, %dot_general3A {dimension_numbers = #tpu.dot_dimension_numbers<[1], [0], [0], [1], [0, 0, 1, 1], [], []>, transpose_lhs_hint = false} : vector<2048x64xf32>, vector<64x256xf32>, vector<2048x256xf32> -> vector<2048x256xf32>
    %get3A_6 = arith.constant 0 : index
    %get3A_7 = arith.constant 0 : index
    %get3A_8 = vector.load %arg2[%get3A_6, %get3A_7] : memref<2048x64xf32, #tpu.memory_space<vmem>>, vector<2048x64xf32>
    %get3A_9 = arith.constant 0 : index
    %get3A_10 = arith.constant 0 : index
    %get3A_11 = vector.load %arg4[%get3A_9, %get3A_10] : memref<64x256xf32, #tpu.memory_space<vmem>>, vector<64x256xf32>
    %dot_general3A_12 = arith.constant dense<0.000000e+00> : vector<2048x256xf32>
    %dot_general3A_13 = tpu.matmul %get3A_8, %get3A_11, %dot_general3A_12 {dimension_numbers = #tpu.dot_dimension_numbers<[1], [0], [0], [1], [0, 0, 1, 1], [], []>, transpose_lhs_hint = false} : vector<2048x64xf32>, vector<64x256xf32>, vector<2048x256xf32> -> vector<2048x256xf32>
    %add3A = arith.addf %dot_general3A_5, %dot_general3A_13 : vector<2048x256xf32>
    %get3A_14 = arith.constant 0 : index
    %get3A_15 = arith.constant 0 : index
    %get3A_16 = vector.load %arg5[%get3A_14, %get3A_15] : memref<1x256xf32, #tpu.memory_space<vmem>>, vector<1x256xf32>
    %add3A_17 = vector.broadcast %get3A_16 : vector<1x256xf32> to vector<2048x256xf32>
    %add3A_18 = arith.addf %add3A, %add3A_17 : vector<2048x256xf32>
    %max3A = arith.constant 0.000000e+00 : f32
    %max3A_19 = vector.broadcast %max3A : f32 to vector<2048x256xf32>
    %max3A_20 = arith.maximumf %add3A_18, %max3A_19 : vector<2048x256xf32>
    %get3A_21 = arith.constant 0 : index
    %get3A_22 = arith.constant 0 : index
    %get3A_23 = vector.load %arg6[%get3A_21, %get3A_22] : memref<1x256xf32, #tpu.memory_space<vmem>>, vector<1x256xf32>
    %mul3A = vector.broadcast %get3A_23 : vector<1x256xf32> to vector<2048x256xf32>
    %mul3A_24 = arith.mulf %max3A_20, %mul3A : vector<2048x256xf32>
    %reduce_sum3A = arith.constant dense<0.000000e+00> : vector<2048xf32>
    %reduce_sum3A_25 = vector.multi_reduction <add>, %mul3A_24, %reduce_sum3A [1] : vector<2048x256xf32> to vector<2048xf32>
    %broadcast_in_dim3A = vector.shape_cast %reduce_sum3A_25 : vector<2048xf32> to vector<2048x1xf32>
    %get3A_26 = arith.constant 0 : index
    %get3A_27 = arith.constant 0 : index
    %get3A_28 = vector.load %arg7[%get3A_26, %get3A_27] : memref<1x1xf32, #tpu.memory_space<vmem>>, vector<1x1xf32>
    %add3A_29 = vector.broadcast %get3A_28 : vector<1x1xf32> to vector<2048x1xf32>
    %add3A_30 = arith.addf %broadcast_in_dim3A, %add3A_29 : vector<2048x1xf32>
    %neg3A = arith.constant 0.000000e+00 : f32
    %neg3A_31 = vector.broadcast %neg3A : f32 to vector<2048x1xf32>
    %neg3A_32 = arith.subf %neg3A_31, %add3A_30 : vector<2048x1xf32>
    %exp3A = math.exp %neg3A_32 : vector<2048x1xf32>
    %add3A_33 = arith.constant 1.000000e+00 : f32
    %add3A_34 = vector.broadcast %add3A_33 : f32 to vector<2048x1xf32>
    %add3A_35 = arith.addf %add3A_34, %exp3A : vector<2048x1xf32>
    %div3A = arith.constant 1.000000e+00 : f32
    %div3A_36 = vector.broadcast %div3A : f32 to vector<2048x1xf32>
    %div3A_37 = arith.divf %div3A_36, %add3A_35 : vector<2048x1xf32>
    %swap3A = arith.constant 0 : index
    %swap3A_38 = arith.constant 0 : index
    %swap3A_39 = vector.load %arg8[%swap3A, %swap3A_38] : memref<2048x1xf32, #tpu.memory_space<vmem>>, vector<2048x1xf32>
    tpu.vector_store %arg8[%swap3A, %swap3A_38], %div3A_37 {strides = array<i32>} : memref<2048x1xf32, #tpu.memory_space<vmem>>, vector<2048x1xf32>,
    return
  }
  func.func @transform_0(%arg0: i32) -> (i32, i32) {
    %c0_i32 = arith.constant 0 : i32
    %c0_i32_0 = arith.constant 0 : i32
    return %arg0, %c0_i32 : i32, i32
  }
  func.func @transform_1(%arg0: i32) -> (i32, i32) {
    %c0_i32 = arith.constant 0 : i32
    %c0_i32_0 = arith.constant 0 : i32
    return %arg0, %c0_i32 : i32, i32
  }
  func.func @transform_2(%arg0: i32) -> (i32, i32) {
    %c0_i32 = arith.constant 0 : i32
    %c0_i32_0 = arith.constant 0 : i32
    %c0_i32_1 = arith.constant 0 : i32
    return %c0_i32, %c0_i32_0 : i32, i32
  }
  func.func @transform_3(%arg0: i32) -> (i32, i32) {
    %c0_i32 = arith.constant 0 : i32
    %c0_i32_0 = arith.constant 0 : i32
    %c0_i32_1 = arith.constant 0 : i32
    return %c0_i32, %c0_i32_0 : i32, i32
  }
  func.func @transform_4(%arg0: i32) -> (i32, i32) {
    %c0_i32 = arith.constant 0 : i32
    %c0_i32_0 = arith.constant 0 : i32
    %c0_i32_1 = arith.constant 0 : i32
    return %c0_i32, %c0_i32_0 : i32, i32
  }
  func.func @transform_5(%arg0: i32) -> (i32, i32) {
    %c0_i32 = arith.constant 0 : i32
    %c0_i32_0 = arith.constant 0 : i32
    %c0_i32_1 = arith.constant 0 : i32
    return %c0_i32, %c0_i32_0 : i32, i32
  }
  func.func @transform_6(%arg0: i32) -> (i32, i32) {
    %c0_i32 = arith.constant 0 : i32
    %c0_i32_0 = arith.constant 0 : i32
    %c0_i32_1 = arith.constant 0 : i32
    return %c0_i32, %c0_i32_0 : i32, i32
  }
  func.func @transform_7(%arg0: i32) -> (i32, i32) {
    %c0_i32 = arith.constant 0 : i32
    %c0_i32_0 = arith.constant 0 : i32
    return %arg0, %c0_i32 : i32, i32
  }
}

</mosaic_0001>

<sc_bundles>
// kernel: ncf_sc_gather.3.cloned.1.call-start
scs
__scs_entry_jumppad:
0x0: {  	(pc) =	sbr.rel $0x88, $3  }
0x1: {  	(tag) =	ssettag $0x0;
	lr =	simm.s32 $0x1  }
0x2: {  	[smem:$0x3F99] =	sst lr;
	_ =	strace $0xD0000000  }
0x3: {  	_ = 	snop  }
0x4: {  	_ = 	snop  }
0x5: {  	_ = 	snop  }
0x6: {  	_ = 	snop  }
0x7: {  	_ = 	snop  }
__scs_overlays_trampoline_lowered:
0x8: {  	[smem:$0x3FA8] =	sst s0  }
0x9: {  	[smem:$0x3FA9] =	sst s1  }
0xa: {  	[smem:$0x3FAA] =	sst s2  }
0xb: {  	[smem:$0x3FAB] =	sst s3  }
0xc: {  	[smem:$0x3FAC] =	sst s4  }
0xd: {  	[smem:$0x3FAD] =	sst s5  }
0xe: {  	[smem:$0x3FAE] =	sst s6  }
0xf: {  	[smem:$0x3FAF] =	sst s7  }
0x10: {  	[smem:$0x3FB0] =	sst s8  }
0x11: {  	[smem:$0x3FB1] =	sst s9;
	s0 =	simm.s32 @!p0 $0x0  }
0x12: {  	s1 =	sld [smem:$0x3F97];
	s0 =	simm.s32 @p0 $0x1  }
0x13: {  	[smem:$0x3FB2] =	sst s0;
	s0 =	simm.s32 @!p1 $0x0  }
0x14: {  	s2 =	sld [smem:$0x3F96];
	s0 =	simm.s32 @p1 $0x1  }
0x15: {  	[smem:$0x3FB3] =	sst s0;
	s0 =	simm.s32 @!p2 $0x0  }
0x16: {  	s3 =	sld [smem:$0x3FDB];
	s0 =	simm.s32 @p2 $0x1  }
0x17: {  	s4 =	simm.s32 $0x1BF5;
	[smem:$0x3FB5] =	sst s0  }
0x18: {  	s0 =	sld [smem:$0x3F98];
	_ =	swait.ge [sflag:s4], $0x0  }
0x19: {  	s7 =	sld [smem:$0x3F99]  }
0x1a: {  	s8 =	sadd.s32 $0xFFFFE003, lr  }
0x1b: {  	s9 =	sadd.s32 $0xFFFFFEF7, lr;
	s5 =	simm.s32 $0xFFFFFFFF;
	p2 =	slt.u32 s8, $0xFFFFF086  }
0x1c: {  	p1 =	slt.u32 s9, $0xF7A;
	s5 =	simm.s32 @!p2 $0x0  }
0x1d: {  	s5 =	simm.s32 @p1 $0x1;
	p0 =	seq.s32 s7, s2  }
0x1e: {  	s7 =	smul.u32 @!p0 $0xF7A, s2;
	p2 =	seq.s32 @!p0 s5, $0x0  }
0x1f: {  	s9 =	smul.u32 $0xF7A, s1;
	s8 =	simm.s32 @!p0 $0x1BF5;
	p2 =	por !p2, p0  }
0x20: {  	[sflag:s8] =	ssyncset.s32 @!p0 $0xFFFFF086;
	s6 =	sadd.s32 @!p0 s3, s7;
	s7 =	simm.s32 @!p0 $0x108  }
0x21: {  	s3 =	sadd.s32 s3, s9;
	s6 =	sadd.s32 @!p0 $0x88, s6;
	s7 =	simm.s32 @p2 $0x1082  }
0x22: {  	[simem:s7], [sflag:s8] =	dma.local @!p0 [hbm:s6], $0xF7A  }
0x23: {  	s9 =	sor.u32 $0xD0000000, s2;
	s6 =	simm.s32 $0x108;
	_ =	swait.ge @!p0 [sflag:s8], $0x0  }
0x24: {  	s3 =	sadd.s32 $0x88, s3;
	s6 =	simm.s32 @!p1 $0x1082;
	[sflag:s4] =	ssyncset.s32 $0xFFFFF086  }
0x25: {  	[simem:s6], [sflag:s4] =	dma.local [hbm:s3], $0xF7A  }
0x26: {  	[smem:$0x3F99] =	sst s1;
	(tag) =	ssettag s2;
	_ =	strace s9  }
0x27: {  	s1 =	sld [smem:$0x3FA9]  }
0x28: {  	s2 =	sld [smem:$0x3FAA]  }
0x29: {  	s4 =	sld [smem:$0x3FAC]  }
0x2a: {  	p0 =	seq.s32 s5, $0x0;
	s5 =	sld [smem:$0x3FAD]  }
0x2b: {  	s6 =	sld [smem:$0x3FAE]  }
0x2c: {  	s7 =	sld [smem:$0x3FAF]  }
0x2d: {  	s3 =	simm.s32 $0x108;
	s8 =	sld [smem:$0x3FB0]  }
0x2e: {  	s3 =	simm.s32 @!p0 $0x1082;
	s9 =	sld [smem:$0x3FB1]  }
0x2f: {  	lr =	sadd.s32 s0, s3;
	s0 =	sld [smem:$0x3FA8]  }
0x30: {  	s3 =	sld [smem:$0x3FAB]  }
0x31: {  	[smem:$0x3FB4] =	sst s10  }
0x32: {  	s10 =	sld [smem:$0x3FB2];
	_ =	sdelay $0x3  }
0x33: {  	p0 =	seq.s32 s10, $0x1;
	s10 =	sld [smem:$0x3FB4];
	_ =	sdelay $0x3  }
0x34: {  	[smem:$0x3FB4] =	sst s10  }
0x35: {  	s10 =	sld [smem:$0x3FB3];
	_ =	sdelay $0x3  }
0x36: {  	p1 =	seq.s32 s10, $0x1;
	s10 =	sld [smem:$0x3FB4];
	_ =	sdelay $0x3  }
0x37: {  	[smem:$0x3FB4] =	sst s10  }
0x38: {  	s10 =	sld [smem:$0x3FB5]  }
0x39: {  	_ = 	snop;
	(pc) =	sbr.ind lr, $3  }
0x3a: {  	_ = 	snop  }
0x3b: {  	_ = 	snop  }
0x3c: {  	p2 =	seq.s32 s10, $0x1;
	s10 =	sld [smem:$0x3FB4]  }
0x3d: {  	_ =	shalt  }
0x3e: {  	_ =	shalt  }
0x3f: {  	_ =	shalt  }
0x40: {  	_ =	shalt  }
0x41: {  	_ =	shalt  }
0x42: {  	_ =	shalt  }
0x43: {  	_ =	shalt  }
0x44: {  	_ =	shalt  }
0x45: {  	_ =	shalt  }
0x46: {  	_ =	shalt  }
0x47: {  	_ =	shalt  }
0x48: {  	_ =	shalt  }
0x49: {  	_ =	shalt  }
0x4a: {  	_ =	shalt  }
0x4b: {  	_ =	shalt  }
0x4c: {  	_ =	shalt  }
0x4d: {  	_ =	shalt  }
0x4e: {  	_ =	shalt  }
0x4f: {  	_ =	shalt  }
0x50: {  	_ =	shalt  }
0x51: {  	_ =	shalt  }
0x52: {  	_ =	shalt  }
0x53: {  	_ =	shalt  }
0x54: {  	_ =	shalt  }
0x55: {  	_ =	shalt  }
0x56: {  	_ =	shalt  }
0x57: {  	_ =	shalt  }
0x58: {  	_ =	shalt  }
0x59: {  	_ =	shalt  }
0x5a: {  	_ =	shalt  }
0x5b: {  	_ =	shalt  }
0x5c: {  	_ =	shalt  }
0x5d: {  	_ =	shalt  }
0x5e: {  	_ =	shalt  }
0x5f: {  	_ =	shalt  }
0x60: {  	_ =	shalt  }
0x61: {  	_ =	shalt  }
0x62: {  	_ =	shalt  }
0x63: {  	_ =	shalt  }
0x64: {  	_ =	shalt  }
0x65: {  	_ =	shalt  }
0x66: {  	_ =	shalt  }
0x67: {  	_ =	shalt  }
0x68: {  	_ =	shalt  }
0x69: {  	_ =	shalt  }
0x6a: {  	_ =	shalt  }
0x6b: {  	_ =	shalt  }
0x6c: {  	_ =	shalt  }
0x6d: {  	_ =	shalt  }
0x6e: {  	_ =	shalt  }
0x6f: {  	_ =	shalt  }
0x70: {  	_ =	shalt  }
0x71: {  	_ =	shalt  }
0x72: {  	_ =	shalt  }
0x73: {  	_ =	shalt  }
0x74: {  	_ =	shalt  }
0x75: {  	_ =	shalt  }
0x76: {  	_ =	shalt  }
0x77: {  	_ =	shalt  }
0x78: {  	_ =	shalt  }
0x79: {  	_ =	shalt  }
0x7a: {  	_ =	shalt  }
0x7b: {  	_ =	shalt  }
0x7c: {  	_ =	shalt  }
0x7d: {  	_ =	shalt  }
0x7e: {  	_ =	shalt  }
0x7f: {  	_ =	shalt  }
0x80: {  	_ =	shalt  }
0x81: {  	_ =	shalt  }
0x82: {  	_ =	shalt  }
0x83: {  	_ =	shalt  }
0x84: {  	_ =	shalt  }
0x85: {  	_ =	shalt  }
0x86: {  	_ =	shalt  }
0x87: {  	_ =	shalt  }
.Lfunc_end0:
.L_simem_size_0:
called_computation_lowered:
.L_overlay_start_0:
0x88: {  	s2 =	sld [smem:$0x3FD9]  }
0x89: {  	s3 =	sld [smem:$0x3FFE];
	_ =	sdelay $0x1  }
0x8a: {  	s1 =	srdreg.scid  }
0x8b: {  	s0 =	sand.u32 $0x1, s1  }
0x8c: {  	s17 =	sshll.u32 s0, $0xA;
	s2 =	sadd.s32 s3, s2  }
0x8d: {  	s2 =	sadd.s32 s2, s17  }
0x8e: {  	[smem:$0x3FC0] =	sst s2  }
0x8f: {  	_ = 	snop  }
0x90: {  	s2 =	sld [smem:$0x3FC9]  }
0x91: {  	s18 =	sld [smem:$0x3FC8];
	(tm) =	ssettm $0x1  }
0x92: {  	s4 =	sld [smem:$0x3FFB];
	_ =	sdelay $0x3  }
0x93: {  	_ =	strace s4  }
0x94: {  	s4 =	sld [smem:$0x3FFC];
	_ =	sdelay $0x3  }
0x95: {  	_ =	strace s4  }
0x96: {  	s4 =	sld [smem:$0x3FFD];
	_ =	sdelay $0x3  }
0x97: {  	_ =	strace s4  }
0x98: {  	_ =	strace $0x8FFFFFFF  }
0x99: {  	s19 =	sld [smem:$0x3FDB];
	_ =	sdelay $0x1  }
0x9a: {  	s5 =	simm.s32 $_scs_section_size  }
0x9b: {  	s6 =	simm.s32 $_size__tile_overlayer_lowered;
	s7 =	simm.s32 $_tile_overlayer_lowered  }
0x9c: {  	s22 =	simm.s32 $0x1BFF;
	s21 =	sshll.u32 s7, $0x1;
	s4 =	sadd.s32 s5, s19  }
0x9d: {  	s8 =	simm.s32 $0x0;
	s20 =	sshll.u32 s6, $0x1;
	s6 =	sadd.s32 s21, s4  }
0x9e: {  	[timem:s8], [sflag:s22] =	dma.local [hbm:s6], s20  }
0x9f: {  	_ =	swait.ge [sflag:s22], s20  }
0xa0: {  	s5 =	ssub.s32 $0x0, s20;
	[sflag:s22] =	ssyncset.done $0x0  }
0xa1: {  	[sflag:s22] =	ssyncadd.s32 s5;
	_ =	sdelay $0x1  }
0xa2: {  	s23 =	simm.s32 $0x1B8B  }
0xa3: {  	_ =	swait.ge [sflag:s23], $0x1  }
0xa4: {  	[sflag:s23] =	ssyncset.done $0x0  }
0xa5: {  	s25 =	simm.s32 $0x1B8E;
	s24 =	sld [smem:$0x3FFE];
	[sflag:s23] =	ssyncadd.s32 $0xFFFFFFFF  }
0xa6: {  	s26 =	simm.s32 $execute0_lowered;
	[smem:$0x3FD2] =	sst s25  }
0xa7: {  	s6 =	sshll.u32 s26, $0x1;
	_ =	strace $0x80000046;
	[dreg:$0x1] =	wrdreg $0xFFFFFFFF  }
0xa8: {  	s28 =	simm.s32 $_size_execute0_lowered;
	s4 =	sadd.s32 s4, s6;
	[dreg:$0x0] =	wrdreg $0x0  }
0xa9: {  	s6 =	sshll.u32 s28, $0x1;
	[dreg:$0x2] =	wrdreg s4  }
0xaa: {  	[dreg:$0x3] =	wrdreg s6  }
0xab: {  	[dreg:$0x4] =	wrdreg $0xC0  }
0xac: {  	_ =	task [dreg:s8], $0x5FFFF  }
0xad: {  	[dreg:$0x1] =	wrdreg $0xFFFFFFFF  }
0xae: {  	[dreg:$0x0] =	wrdreg $0x60  }
0xaf: {  	[dreg:$0x2] =	wrdreg s2  }
0xb0: {  	[dreg:$0x3] =	wrdreg s18  }
0xb1: {  	[dreg:$0x4] =	wrdreg s24  }
0xb2: {  	[dreg:$0x5] =	wrdreg $0x9  }
0xb3: {  	_ =	task.clear_ibuf [dreg:s8], $0x6FFFF;
	_ =	strace $0x90000046  }
0xb4: {  	s29 =	simm.s32 $0x9;
	_ =	strace $0x80000048  }
0xb5: {  	_ =	swait.ge [sflag:s29], $0x1  }
0xb6: {  	[sflag:s29] =	ssyncadd.s32 $0xFFFFFFFF  }
0xb7: {  	_ =	strace $0x90000048  }
0xb8: {  	_ =	sfence  }
0xb9: {  	s30 =	sld [smem:$0x0];
	_ =	sdelay $0x2  }
0xba: {  	s31 =	sshll.u32 s1, $0xD;
	s1 =	sshrl.u32 s1, $0x2  }
0xbb: {  	s3 =	sand.u32 $0x4000, s31;
	s1 =	sadd.s32 s1, s30  }
0xbc: {  	s0 =	sor.u32 s3, s0;
	s1 =	sshll.u32 s1, $0x11  }
0xbd: {  	s0 =	sor.u32 s1, s0  }
0xbe: {  	s0 =	sadd.s32 $0x8F2B, s0  }
0xbf: {  	[sflag:s0] =	ssyncadd.remote.s32 $0x1  }
0xc0: {  	_ =	sfence.sel $0xFFFF  }
0xc1: {  	[dreg:$0x0] =	wrdreg $0xFFFFFFFF;
	(pc) =	sbr.abs _section_cstart, $3  }
0xc2: {  	[dreg:$0x1] =	wrdreg $0xFFFFFFFF  }
0xc3: {  	_ =	task.clear_ibuf [dreg:s8], $0x2FFFF;
	_ =	strace $0x9FFFFFFF  }
0xc4: {  	(tm) =	ssettm $0x7FFFFFFF  }
0xc5: {  	_ =	shalt  }
tec
execute0_lowered:
.L_overlay_start_1:
0x0: {  	(tag) =	ssettag $0x1  }
0x1: {  	s0 =	rddreg [dreg:$0x0]  }
0x2: {  	s2 =	rddreg [dreg:$0x1]  }
0x3: {  	s5 =	rddreg [dreg:$0x2];
	s1 =	simm.s32 $0x0;
	s6 =	srdreg.scid  }
0x4: {  	s7 =	stileid.u32;
	s14 =	simm.s32 $0x1;
	s16 =	simm.s32 $0x2  }
0x5: {  	s18 =	simm.s32 $0x3;
	s19 =	simm.s32 $0x4;
	s6 =	sand.u32 $0x1, s6  }
0x6: {  	s20 =	simm.s32 $0x0;
	s7 =	sshll.u32 s7, $0xA;
	s9 =	sshll.u32 s6, $0x9  }
0x7: {  	[smem:$0x7FF] =	sst s1;
	s3 =	sadd.s32 $0x1400, s5;
	s25 =	sor.u32 s9, s7  }
0x8: {  	s4 =	sadd.s32 $0xF43800, s5;
	s8 =	sadd.s32 $0x10CA200, s5;
	s9 =	sshrl.u32 s25, $0x3  }
0x9: {  	s10 =	sadd.s32 $0x110A200, s5;
	_ =	strace $0x80000047;
	s0 =	sadd.s32 s0, s9  }
0xa: {  	s11 =	sshll.u32 s25, $0x4;
	s2 =	sadd.s32 s2, s9;
	[dreg:$0x4] =	wrdreg s0  }
0xb: {  	s24 =	ssub.s32 $0x2, s6;
	s29 =	sadd.s32 s8, s11;
	[dreg:$0x5] =	wrdreg s2  }
0xc: {  	s28 =	sor.u32 $0x1000, s11;
	s31 =	sadd.s32 s10, s11;
	[dreg:$0x6] =	wrdreg s29  }
0xd: {  	s26 =	sshrl.u32 s24, $0x1;
	s30 =	sadd.s32 s8, s28;
	[dreg:$0x8] =	wrdreg s31  }
0xe: {  	s12 =	ssub.s32 s24, s26;
	s0 =	sadd.s32 s10, s28;
	[dreg:$0x7] =	wrdreg s30  }
0xf: {  	s11 =	smax.u32 s12, $0x1;
	s12 =	simm.s32 $0x5;
	[dreg:$0x9] =	wrdreg s0  }
.LBB2_1:
0x10: {  	s0 =	rddreg [dreg:$0x4]  }
0x11: {  	[tilespmem:s1], [sflag:$0x5] =	stream.linear.gather [hbm4b:s0+s1], $0x200, $0x38;
	[tilespmem:$0x10400] =	vst v63  }
0x12: {  	_ =	swait.ge [sflag:s12], $0x200  }
0x13: {  	[sflag:s12] =	ssyncset.done $0x0  }
0x14: {  	s2 =	simm.s32 $0x200;
	s31 =	rddreg [dreg:$0x5];
	[sflag:s12] =	ssyncadd.s32 $0xFFFFFE00  }
0x15: {  	[tilespmem:s2], [sflag:$0x5] =	stream.linear.gather [hbm4b:s31+s1], $0x200, $0x38;
	[tilespmem:$0x10400] =	vst v63  }
0x16: {  	_ =	swait.ge [sflag:s12], $0x200  }
0x17: {  	[sflag:s12] =	ssyncset.done $0x0  }
0x18: {  	[sflag:s12] =	ssyncadd.s32 $0xFFFFFE00  }
0x19: {  	v0 =	vld [tilespmem:s1+$0x0];
	_ =	sdelay $0x4  }
0x1a: {  	v0 =	vshll.u32 v0, $0x4  }
0x1b: {  	(v2sf) =	vpush v0, $0x0  }
0x1c: {  	(v2sf) =	vpush v0, $0x1  }
0x1d: {  	(v2sf) =	vpush v0, $0x2;
	_ =	sdelay $0x1  }
0x1e: {  	(v2sf) =	vpush v0, $0x4;
	_ =	sdelay $0x1  }
0x1f: {  	(v2sf) =	vpush v0, $0x3  }
0x20: {  	(v2sf) =	vpush v0, $0x5  }
0x21: {  	s23 =	simm.s32 $0x2000;
	s22 =	simm.s32 $0x0;
	s24 =	simm.s32 $0x0;
	(v2sf) =	vpush v0, $0x6  }
.LBB2_2:
0x22: {  	p0 =	sne.s32 s23, $0x1E000  }
0x23: {  	s15 =	sadd.s32 $0x480, s22;
	s29 =	sadd.s32 $0x980, s22;
	s25 =	smov.u32 s23  }
0x24: {  	s23 =	sadd.s32 $0x2000, s23;
	s0 =	sadd.s32 $0x780, s22;
	s26 =	sadd.s32 $0xA00, s22;
	(v2sf) =	vpush v0, $0x7  }
0x25: {  	s13 =	sadd.s32 $0x680, s22;
	s30 =	sadd.s32 $0x800, s22;
	s28 =	sadd.s32 $0xA80, s22  }
0x26: {  	s17 =	sadd.s32 $0x400, s22;
	s5 =	sadd.s32 $0x600, s22;
	(v2sf) =	vpush v0, $0x8  }
0x27: {  	s21 =	simm.s32 $0x0;
	s6 =	sadd.s32 $0x700, s22;
	s24 =	sadd.s32 $0x10, s24  }
0x28: {  	s7 =	sadd.s32 $0x500, s22;
	s31 =	sadd.s32 $0x900, s22;
	s2 =	spop (v2sf);
	(v2sf) =	vpush v0, $0x9  }
0x29: {  	s8 =	sand.u32 $0x1FFFFFF0, s2;
	s2 =	sadd.s32 $0x880, s22;
	s9 =	spop (v2sf)  }
0x2a: {  	s8 =	sadd.s32 s3, s8;
	s9 =	sand.u32 $0x1FFFFFF0, s9;
	s10 =	spop (v2sf);
	(v2sf) =	vpush v0, $0xA  }
0x2b: {  	[tilespmem:s17], [sflag:$0x1] =	stream.linear.gather [hbm4b:s8+s21], $0x80, $0x38;
	[tilespmem:$0x10400] =	vst v63  }
0x2c: {  	s8 =	sadd.s32 s3, s9;
	s9 =	sadd.s32 $0x580, s22;
	s17 =	spop (v2sf);
	(v2sf) =	vpush v0, $0xB  }
0x2d: {  	[tilespmem:s15], [sflag:$0x1] =	stream.linear.gather [hbm4b:s8+s21], $0x80, $0x38;
	[tilespmem:$0x10400] =	vst v63  }
0x2e: {  	s8 =	sand.u32 $0x1FFFFFF0, s10;
	s10 =	sand.u32 $0x1FFFFFF0, s17;
	s15 =	spop (v2sf);
	(v2sf) =	vpush v0, $0xC  }
0x2f: {  	s8 =	sadd.s32 s3, s8;
	s15 =	sand.u32 $0x1FFFFFF0, s15;
	s17 =	spop (v2sf)  }
0x30: {  	[tilespmem:s7], [sflag:$0x1] =	stream.linear.gather [hbm4b:s8+s21], $0x80, $0x38;
	(v2sf) =	vpush v0, $0xD;
	[tilespmem:$0x10400] =	vst v63  }
0x31: {  	s7 =	sadd.s32 s3, s15;
	s8 =	sand.u32 $0x1FFFFFF0, s17;
	s15 =	spop (v2sf)  }
0x32: {  	[tilespmem:s9], [sflag:$0x1] =	stream.linear.gather [hbm4b:s7+s21], $0x80, $0x38;
	(v2sf) =	vpush v0, $0xE;
	[tilespmem:$0x10400] =	vst v63  }
0x33: {  	s7 =	sadd.s32 s3, s10;
	s9 =	sand.u32 $0x1FFFFFF0, s15;
	s10 =	spop (v2sf)  }
0x34: {  	[tilespmem:s5], [sflag:$0x1] =	stream.linear.gather [hbm4b:s7+s21], $0x80, $0x38;
	(v2sf) =	vpush v0, $0xF;
	[tilespmem:$0x10400] =	vst v63  }
0x35: {  	s5 =	sadd.s32 s3, s8;
	s7 =	sand.u32 $0x1FFFFFF0, s10;
	s8 =	spop (v2sf)  }
0x36: {  	[tilespmem:s13], [sflag:$0x1] =	stream.linear.gather [hbm4b:s5+s21], $0x80, $0x38;
	[tilespmem:$0x10400] =	vst v63  }
0x37: {  	s5 =	sadd.s32 s3, s9;
	s8 =	sand.u32 $0x1FFFFFF0, s8;
	s9 =	spop (v2sf)  }
0x38: {  	[tilespmem:s6], [sflag:$0x1] =	stream.linear.gather [hbm4b:s5+s21], $0x80, $0x38;
	[tilespmem:$0x10400] =	vst v63  }
0x39: {  	s5 =	sadd.s32 s3, s7;
	s6 =	sand.u32 $0x1FFFFFF0, s9;
	s7 =	spop (v2sf)  }
0x3a: {  	[tilespmem:s0], [sflag:$0x1] =	stream.linear.gather [hbm4b:s5+s21], $0x80, $0x38;
	[tilespmem:$0x10400] =	vst v63  }
0x3b: {  	s0 =	sadd.s32 s3, s8;
	s5 =	sand.u32 $0x1FFFFFF0, s7;
	s7 =	spop (v2sf)  }
0x3c: {  	[tilespmem:s30], [sflag:$0x1] =	stream.linear.gather [hbm4b:s0+s21], $0x80, $0x38;
	[tilespmem:$0x10400] =	vst v63  }
0x3d: {  	s0 =	sadd.s32 s3, s6;
	s6 =	sand.u32 $0x1FFFFFF0, s7;
	s7 =	spop (v2sf)  }
0x3e: {  	[tilespmem:s2], [sflag:$0x1] =	stream.linear.gather [hbm4b:s0+s21], $0x80, $0x38;
	[tilespmem:$0x10400] =	vst v63  }
0x3f: {  	s0 =	sadd.s32 s3, s5;
	s2 =	sand.u32 $0x1FFFFFF0, s7;
	s5 =	spop (v2sf)  }
0x40: {  	[tilespmem:s31], [sflag:$0x1] =	stream.linear.gather [hbm4b:s0+s21], $0x80, $0x38;
	[tilespmem:$0x10400] =	vst v63  }
0x41: {  	s0 =	sadd.s32 s3, s6;
	s5 =	sand.u32 $0x1FFFFFF0, s5;
	s6 =	spop (v2sf)  }
0x42: {  	[tilespmem:s29], [sflag:$0x1] =	stream.linear.gather [hbm4b:s0+s21], $0x80, $0x38;
	[tilespmem:$0x10400] =	vst v63  }
0x43: {  	s0 =	sadd.s32 s3, s2;
	s2 =	sand.u32 $0x1FFFFFF0, s6;
	s6 =	spop (v2sf)  }
0x44: {  	[tilespmem:s26], [sflag:$0x1] =	stream.linear.gather [hbm4b:s0+s21], $0x80, $0x38;
	[tilespmem:$0x10400] =	vst v63  }
0x45: {  	s0 =	sadd.s32 s3, s5;
	s5 =	sand.u32 $0x1FFFFFF0, s6  }
0x46: {  	[tilespmem:s28], [sflag:$0x1] =	stream.linear.gather [hbm4b:s0+s21], $0x80, $0x38;
	[tilespmem:$0x10400] =	vst v63  }
0x47: {  	s2 =	sadd.s32 s3, s2;
	s0 =	sadd.s32 $0xB00, s22  }
0x48: {  	[tilespmem:s0], [sflag:$0x1] =	stream.linear.gather [hbm4b:s2+s21], $0x80, $0x38;
	[tilespmem:$0x10400] =	vst v63  }
0x49: {  	s0 =	sadd.s32 $0xB80, s22;
	s2 =	sadd.s32 s3, s5  }
0x4a: {  	[tilespmem:s0], [sflag:$0x1] =	stream.linear.gather [hbm4b:s2+s21], $0x80, $0x38;
	[tilespmem:$0x10400] =	vst v63  }
0x4b: {  	v0 =	vld [tilespmem:s24+$0x0];
	_ =	sdelay $0x4  }
0x4c: {  	v0 =	vshll.u32 v0, $0x4  }
0x4d: {  	(v2sf) =	vpush v0, $0x0  }
0x4e: {  	(v2sf) =	vpush v0, $0x1  }
0x4f: {  	(v2sf) =	vpush v0, $0x2;
	_ =	sdelay $0x1  }
0x50: {  	(v2sf) =	vpush v0, $0x4  }
.Ltmp0:
0x51: {  	(pc) =	sbr.rel @p0 .LBB2_2-.Ltmp0, $3  }
0x52: {  	(v2sf) =	vpush v0, $0x3  }
0x53: {  	(v2sf) =	vpush v0, $0x5;
	_ =	sdelay $0x1  }
0x54: {  	s22 =	sshra.s32 s25, $0x2;
	(v2sf) =	vpush v0, $0x6  }
0x55: {  	_ =	sdelay $0x1  }
0x56: {  	s2 =	sadd.s32 $0x480, s22;
	s24 =	sadd.s32 $0x980, s22  }
0x57: {  	s5 =	sadd.s32 $0x780, s22;
	s0 =	sadd.s32 $0xA00, s22;
	(v2sf) =	vpush v0, $0x7;
	s6 =	sadd.s32 $0x680, s22  }
0x58: {  	s7 =	sadd.s32 $0x800, s22;
	s23 =	sadd.s32 $0xA80, s22;
	s8 =	sadd.s32 $0x400, s22  }
0x59: {  	s9 =	sadd.s32 $0x600, s22;
	s10 =	sadd.s32 $0x700, s22;
	(v2sf) =	vpush v0, $0x8;
	s13 =	spop (v2sf)  }
0x5a: {  	s15 =	sadd.s32 $0x500, s22;
	s13 =	sand.u32 $0x1FFFFFF0, s13;
	s17 =	spop (v2sf)  }
0x5b: {  	(v2sf) =	vpush v0, $0x9;
	s13 =	sadd.s32 s3, s13;
	s17 =	sand.u32 $0x1FFFFFF0, s17;
	s25 =	spop (v2sf)  }
0x5c: {  	[tilespmem:s8], [sflag:$0x1] =	stream.linear.gather [hbm4b:s13+s21], $0x80, $0x38;
	[tilespmem:$0x10400] =	vst v63  }
0x5d: {  	(v2sf) =	vpush v0, $0xA;
	s26 =	sadd.s32 s3, s17;
	s29 =	sand.u32 $0x1FFFFFF0, s25;
	s28 =	spop (v2sf)  }
0x5e: {  	[tilespmem:s2], [sflag:$0x1] =	stream.linear.gather [hbm4b:s26+s21], $0x80, $0x38;
	[tilespmem:$0x10400] =	vst v63  }
0x5f: {  	s8 =	sadd.s32 $0x900, s22;
	(v2sf) =	vpush v0, $0xB;
	s13 =	sadd.s32 s3, s29;
	s30 =	spop (v2sf)  }
0x60: {  	s2 =	sadd.s32 $0x880, s22;
	s26 =	sadd.s32 $0x580, s22;
	s25 =	sand.u32 $0x1FFFFFF0, s30  }
0x61: {  	(v2sf) =	vpush v0, $0xC;
	[tilespmem:s15], [sflag:$0x1] =	stream.linear.gather [hbm4b:s13+s21], $0x80, $0x38;
	[tilespmem:$0x10400] =	vst v63  }
0x62: {  	s31 =	sand.u32 $0x1FFFFFF0, s28;
	s28 =	spop (v2sf);
	s29 =	sadd.s32 s3, s25  }
0x63: {  	(v2sf) =	vpush v0, $0xD;
	[tilespmem:s26], [sflag:$0x1] =	stream.linear.gather [hbm4b:s29+s21], $0x80, $0x38;
	[tilespmem:$0x10400] =	vst v63  }
0x64: {  	s13 =	sadd.s32 s3, s31;
	s15 =	sand.u32 $0x1FFFFFF0, s28;
	s30 =	spop (v2sf)  }
0x65: {  	(v2sf) =	vpush v0, $0xE;
	[tilespmem:s9], [sflag:$0x1] =	stream.linear.gather [hbm4b:s13+s21], $0x80, $0x38;
	[tilespmem:$0x10400] =	vst v63  }
0x66: {  	s15 =	sadd.s32 s3, s15;
	s31 =	sand.u32 $0x1FFFFFF0, s30;
	s17 =	spop (v2sf)  }
0x67: {  	(v2sf) =	vpush v0, $0xF;
	[tilespmem:s6], [sflag:$0x1] =	stream.linear.gather [hbm4b:s15+s21], $0x80, $0x38;
	[tilespmem:$0x10400] =	vst v63  }
0x68: {  	s25 =	sand.u32 $0x1FFFFFF0, s17;
	s26 =	spop (v2sf);
	s9 =	sadd.s32 s3, s31  }
0x69: {  	[tilespmem:s10], [sflag:$0x1] =	stream.linear.gather [hbm4b:s9+s21], $0x80, $0x38;
	[tilespmem:$0x10400] =	vst v63  }
0x6a: {  	s28 =	sand.u32 $0x1FFFFFF0, s26;
	s6 =	sadd.s32 s3, s25;
	s29 =	spop (v2sf)  }
0x6b: {  	[tilespmem:s5], [sflag:$0x1] =	stream.linear.gather [hbm4b:s6+s21], $0x80, $0x38;
	[tilespmem:$0x10400] =	vst v63  }
0x6c: {  	s9 =	sadd.s32 s3, s28;
	s30 =	sand.u32 $0x1FFFFFF0, s29;
	s31 =	spop (v2sf)  }
0x6d: {  	[tilespmem:s7], [sflag:$0x1] =	stream.linear.gather [hbm4b:s9+s21], $0x80, $0x38;
	[tilespmem:$0x10400] =	vst v63  }
0x6e: {  	s6 =	sand.u32 $0x1FFFFFF0, s31;
	s5 =	sadd.s32 s3, s30;
	s9 =	spop (v2sf)  }
0x6f: {  	[tilespmem:s2], [sflag:$0x1] =	stream.linear.gather [hbm4b:s5+s21], $0x80, $0x38;
	[tilespmem:$0x10400] =	vst v63  }
0x70: {  	s6 =	sadd.s32 s3, s6;
	s10 =	sand.u32 $0x1FFFFFF0, s9;
	s13 =	spop (v2sf)  }
0x71: {  	[tilespmem:s8], [sflag:$0x1] =	stream.linear.gather [hbm4b:s6+s21], $0x80, $0x38;
	[tilespmem:$0x10400] =	vst v63  }
0x72: {  	s2 =	sadd.s32 s3, s10;
	s5 =	sand.u32 $0x1FFFFFF0, s13;
	s15 =	spop (v2sf)  }
0x73: {  	[tilespmem:s24], [sflag:$0x1] =	stream.linear.gather [hbm4b:s2+s21], $0x80, $0x38;
	[tilespmem:$0x10400] =	vst v63  }
0x74: {  	s17 =	sand.u32 $0x1FFFFFF0, s15;
	s5 =	sadd.s32 s3, s5;
	s24 =	spop (v2sf)  }
0x75: {  	[tilespmem:s0], [sflag:$0x1] =	stream.linear.gather [hbm4b:s5+s21], $0x80, $0x38;
	[tilespmem:$0x10400] =	vst v63  }
0x76: {  	s2 =	sadd.s32 s3, s17;
	s25 =	sand.u32 $0x1FFFFFF0, s24;
	s26 =	spop (v2sf)  }
0x77: {  	[tilespmem:s23], [sflag:$0x1] =	stream.linear.gather [hbm4b:s2+s21], $0x80, $0x38;
	[tilespmem:$0x10400] =	vst v63  }
0x78: {  	s29 =	sadd.s32 $0xB00, s22;
	s28 =	sand.u32 $0x1FFFFFF0, s26;
	s0 =	sadd.s32 s3, s25  }
0x79: {  	[tilespmem:s29], [sflag:$0x1] =	stream.linear.gather [hbm4b:s0+s21], $0x80, $0x38;
	[tilespmem:$0x10400] =	vst v63  }
0x7a: {  	s30 =	sadd.s32 $0xB80, s22;
	s31 =	sand.u32 $0xF0, s21;
	s2 =	sadd.s32 s3, s28  }
0x7b: {  	[tilespmem:s30], [sflag:$0x1] =	stream.linear.gather [hbm4b:s2+s21], $0x80, $0x38;
	[tilespmem:$0x10400] =	vst v63  }
0x7c: {  	v0 =	vld [tilespmem:s31+$0x100];
	_ =	sdelay $0x4  }
0x7d: {  	v0 =	vshll.u32 v0, $0x4  }
0x7e: {  	(v2sf) =	vpush v0, $0x0  }
0x7f: {  	(v2sf) =	vpush v0, $0x2  }
0x80: {  	(v2sf) =	vpush v0, $0x1;
	_ =	sdelay $0x1  }
0x81: {  	(v2sf) =	vpush v0, $0x3  }
0x82: {  	(v2sf) =	vpush v0, $0x4;
	_ =	sdelay $0x2  }
0x83: {  	s22 =	simm.s32 $0x2000;
	s23 =	simm.s32 $0x10  }
.LBB2_4:
0x84: {  	p0 =	sne.s32 s22, $0x1E000;
	(v2sf) =	vpush v0, $0x5;
	s0 =	smov.u32 s22;
	s22 =	sadd.s32 $0x2000, s22  }
0x85: {  	s24 =	sshra.s32 s21, $0x2;
	s21 =	smov.u32 s0  }
0x86: {  	s5 =	sadd.s32 $0x8480, s24;
	(v2sf) =	vpush v0, $0x6  }
0x87: {  	s6 =	sadd.s32 $0x8400, s24  }
0x88: {  	s28 =	sadd.s32 $0x8980, s24;
	s26 =	sadd.s32 $0x8A00, s24;
	s25 =	sadd.s32 $0x8A80, s24;
	(v2sf) =	vpush v0, $0x7  }
0x89: {  	s30 =	sadd.s32 $0x8800, s24;
	s0 =	sadd.s32 $0x8880, s24;
	s29 =	sadd.s32 $0x8900, s24  }
0x8a: {  	s7 =	sadd.s32 $0x8700, s24;
	s2 =	sadd.s32 $0x8780, s24;
	s8 =	spop (v2sf);
	(v2sf) =	vpush v0, $0x8  }
0x8b: {  	s9 =	sadd.s32 $0x8500, s24;
	s8 =	sand.u32 $0x1FFFFFF0, s8;
	s10 =	spop (v2sf)  }
0x8c: {  	s13 =	sadd.s32 $0x8680, s24;
	s8 =	sadd.s32 s3, s8;
	s15 =	spop (v2sf);
	(v2sf) =	vpush v0, $0x9  }
0x8d: {  	[tilespmem:s6], [sflag:$0x2] =	stream.linear.gather [hbm4b:s8+s1], $0x80, $0x38;
	[tilespmem:$0x10400] =	vst v63  }
0x8e: {  	s6 =	sand.u32 $0x1FFFFFF0, s15;
	s8 =	sand.u32 $0x1FFFFFF0, s10;
	s10 =	spop (v2sf);
	(v2sf) =	vpush v0, $0xA  }
0x8f: {  	s15 =	sadd.s32 $0x8600, s24;
	s6 =	sadd.s32 s3, s6;
	s17 =	spop (v2sf)  }
0x90: {  	[tilespmem:s5], [sflag:$0x2] =	stream.linear.gather [hbm4b:s6+s1], $0x80, $0x38;
	(v2sf) =	vpush v0, $0xB;
	[tilespmem:$0x10400] =	vst v63  }
0x91: {  	s5 =	sadd.s32 s3, s8;
	s6 =	sand.u32 $0x1FFFFFF0, s10;
	s8 =	sand.u32 $0x1FFFFFF0, s17  }
0x92: {  	[tilespmem:s9], [sflag:$0x2] =	stream.linear.gather [hbm4b:s5+s1], $0x80, $0x38;
	(v2sf) =	vpush v0, $0xC;
	[tilespmem:$0x10400] =	vst v63  }
0x93: {  	s6 =	sadd.s32 s3, s6;
	s5 =	sadd.s32 $0x8580, s24;
	s9 =	spop (v2sf)  }
0x94: {  	[tilespmem:s5], [sflag:$0x2] =	stream.linear.gather [hbm4b:s6+s1], $0x80, $0x38;
	(v2sf) =	vpush v0, $0xD;
	[tilespmem:$0x10400] =	vst v63  }
0x95: {  	s5 =	sadd.s32 s3, s8;
	s6 =	sand.u32 $0x1FFFFFF0, s9;
	s8 =	spop (v2sf)  }
0x96: {  	[tilespmem:s15], [sflag:$0x2] =	stream.linear.gather [hbm4b:s5+s1], $0x80, $0x38;
	(v2sf) =	vpush v0, $0xE;
	[tilespmem:$0x10400] =	vst v63  }
0x97: {  	s5 =	sadd.s32 s3, s6;
	s6 =	sand.u32 $0x1FFFFFF0, s8;
	s8 =	spop (v2sf)  }
0x98: {  	[tilespmem:s13], [sflag:$0x2] =	stream.linear.gather [hbm4b:s5+s1], $0x80, $0x38;
	(v2sf) =	vpush v0, $0xF;
	[tilespmem:$0x10400] =	vst v63  }
0x99: {  	s5 =	sadd.s32 s3, s6;
	s6 =	sand.u32 $0x1FFFFFF0, s8;
	s8 =	spop (v2sf)  }
0x9a: {  	[tilespmem:s7], [sflag:$0x2] =	stream.linear.gather [hbm4b:s5+s1], $0x80, $0x38;
	[tilespmem:$0x10400] =	vst v63  }
0x9b: {  	s5 =	sadd.s32 s3, s6;
	s6 =	sand.u32 $0x1FFFFFF0, s8;
	s7 =	spop (v2sf)  }
0x9c: {  	[tilespmem:s2], [sflag:$0x2] =	stream.linear.gather [hbm4b:s5+s1], $0x80, $0x38;
	[tilespmem:$0x10400] =	vst v63  }
0x9d: {  	s2 =	sadd.s32 s3, s6;
	s5 =	sand.u32 $0x1FFFFFF0, s7;
	s6 =	spop (v2sf)  }
0x9e: {  	[tilespmem:s30], [sflag:$0x2] =	stream.linear.gather [hbm4b:s2+s1], $0x80, $0x38;
	[tilespmem:$0x10400] =	vst v63  }
0x9f: {  	s2 =	sadd.s32 s3, s5;
	s5 =	sand.u32 $0x1FFFFFF0, s6;
	s6 =	spop (v2sf)  }
0xa0: {  	[tilespmem:s0], [sflag:$0x2] =	stream.linear.gather [hbm4b:s2+s1], $0x80, $0x38;
	[tilespmem:$0x10400] =	vst v63  }
0xa1: {  	s0 =	sadd.s32 s3, s5;
	s2 =	sand.u32 $0x1FFFFFF0, s6;
	s5 =	spop (v2sf)  }
0xa2: {  	[tilespmem:s29], [sflag:$0x2] =	stream.linear.gather [hbm4b:s0+s1], $0x80, $0x38;
	[tilespmem:$0x10400] =	vst v63  }
0xa3: {  	s0 =	sadd.s32 s3, s2;
	s2 =	sand.u32 $0x1FFFFFF0, s5;
	s5 =	spop (v2sf)  }
0xa4: {  	[tilespmem:s28], [sflag:$0x2] =	stream.linear.gather [hbm4b:s0+s1], $0x80, $0x38;
	[tilespmem:$0x10400] =	vst v63  }
0xa5: {  	s0 =	sadd.s32 s3, s2;
	s2 =	sand.u32 $0x1FFFFFF0, s5;
	s5 =	spop (v2sf)  }
0xa6: {  	[tilespmem:s26], [sflag:$0x2] =	stream.linear.gather [hbm4b:s0+s1], $0x80, $0x38;
	[tilespmem:$0x10400] =	vst v63  }
0xa7: {  	s0 =	sadd.s32 s3, s2;
	s2 =	sand.u32 $0x1FFFFFF0, s5;
	s5 =	spop (v2sf)  }
0xa8: {  	[tilespmem:s25], [sflag:$0x2] =	stream.linear.gather [hbm4b:s0+s1], $0x80, $0x38;
	[tilespmem:$0x10400] =	vst v63  }
0xa9: {  	s2 =	sadd.s32 s3, s2;
	s0 =	sadd.s32 $0x8B00, s24;
	s5 =	sand.u32 $0x1FFFFFF0, s5  }
0xaa: {  	[tilespmem:s0], [sflag:$0x2] =	stream.linear.gather [hbm4b:s2+s1], $0x80, $0x38;
	[tilespmem:$0x10400] =	vst v63  }
0xab: {  	s5 =	sadd.s32 s3, s5;
	s0 =	sand.u32 $0xF0, s23;
	s2 =	sadd.s32 $0x8B80, s24  }
0xac: {  	[tilespmem:s2], [sflag:$0x2] =	stream.linear.gather [hbm4b:s5+s1], $0x80, $0x38;
	[tilespmem:$0x10400] =	vst v63  }
0xad: {  	v0 =	vld [tilespmem:s0+$0x100];
	_ =	sdelay $0x4  }
0xae: {  	v0 =	vshll.u32 v0, $0x4  }
0xaf: {  	(v2sf) =	vpush v0, $0x0  }
0xb0: {  	(v2sf) =	vpush v0, $0x2  }
0xb1: {  	(v2sf) =	vpush v0, $0x1;
	_ =	sdelay $0x1  }
.Ltmp1:
0xb2: {  	(v2sf) =	vpush v0, $0x3;
	(pc) =	sbr.rel @p0 .LBB2_4-.Ltmp1, $2  }
0xb3: {  	(v2sf) =	vpush v0, $0x4;
	_ =	sdelay $0x2  }
0xb4: {  	s23 =	sadd.s32 $0x10, s23  }
0xb5: {  	(v2sf) =	vpush v0, $0x5;
	_ =	sdelay $0x1  }
0xb6: {  	s21 =	sshra.s32 s21, $0x2;
	(v2sf) =	vpush v0, $0x6  }
0xb7: {  	s5 =	sadd.s32 $0x8480, s21;
	s6 =	sadd.s32 $0x8400, s21  }
0xb8: {  	s2 =	sadd.s32 $0x8980, s21;
	s22 =	sadd.s32 $0x8A00, s21;
	s0 =	sadd.s32 $0x8A80, s21;
	(v2sf) =	vpush v0, $0x7  }
0xb9: {  	s7 =	sadd.s32 $0x8800, s21;
	s8 =	sadd.s32 $0x8880, s21;
	s9 =	sadd.s32 $0x8900, s21  }
0xba: {  	s10 =	sadd.s32 $0x8700, s21;
	s13 =	sadd.s32 $0x8780, s21;
	s15 =	spop (v2sf);
	(v2sf) =	vpush v0, $0x8  }
0xbb: {  	s17 =	sadd.s32 $0x8500, s21;
	s15 =	sand.u32 $0x1FFFFFF0, s15;
	s23 =	spop (v2sf)  }
0xbc: {  	s24 =	sadd.s32 $0x8680, s21;
	s15 =	sadd.s32 s3, s15;
	s25 =	spop (v2sf);
	(v2sf) =	vpush v0, $0x9  }
0xbd: {  	[tilespmem:s6], [sflag:$0x2] =	stream.linear.gather [hbm4b:s15+s1], $0x80, $0x38;
	[tilespmem:$0x10400] =	vst v63  }
0xbe: {  	s29 =	sand.u32 $0x1FFFFFF0, s23;
	s28 =	sand.u32 $0x1FFFFFF0, s25;
	s30 =	spop (v2sf);
	(v2sf) =	vpush v0, $0xA  }
0xbf: {  	s23 =	sadd.s32 $0x8580, s21;
	s6 =	sadd.s32 s3, s28;
	s26 =	spop (v2sf)  }
0xc0: {  	[tilespmem:s5], [sflag:$0x2] =	stream.linear.gather [hbm4b:s6+s1], $0x80, $0x38;
	(v2sf) =	vpush v0, $0xB;
	[tilespmem:$0x10400] =	vst v63  }
0xc1: {  	s25 =	sadd.s32 $0x8600, s21;
	s28 =	sadd.s32 s3, s29;
	s29 =	sand.u32 $0x1FFFFFF0, s30  }
0xc2: {  	(v2sf) =	vpush v0, $0xC;
	[tilespmem:s17], [sflag:$0x2] =	stream.linear.gather [hbm4b:s28+s1], $0x80, $0x38;
	[tilespmem:$0x10400] =	vst v63  }
0xc3: {  	s30 =	sand.u32 $0x1FFFFFF0, s26;
	s6 =	sadd.s32 s3, s29;
	s26 =	spop (v2sf)  }
0xc4: {  	[tilespmem:s23], [sflag:$0x2] =	stream.linear.gather [hbm4b:s6+s1], $0x80, $0x38;
	(v2sf) =	vpush v0, $0xD;
	[tilespmem:$0x10400] =	vst v63  }
0xc5: {  	s28 =	sadd.s32 s3, s30;
	s29 =	sand.u32 $0x1FFFFFF0, s26;
	s30 =	spop (v2sf)  }
0xc6: {  	(v2sf) =	vpush v0, $0xE;
	[tilespmem:s25], [sflag:$0x2] =	stream.linear.gather [hbm4b:s28+s1], $0x80, $0x38;
	[tilespmem:$0x10400] =	vst v63  }
0xc7: {  	s6 =	sadd.s32 s3, s29;
	s17 =	sand.u32 $0x1FFFFFF0, s30;
	s23 =	spop (v2sf)  }
0xc8: {  	(v2sf) =	vpush v0, $0xF;
	[tilespmem:s24], [sflag:$0x2] =	stream.linear.gather [hbm4b:s6+s1], $0x80, $0x38;
	[tilespmem:$0x10400] =	vst v63  }
0xc9: {  	s25 =	sand.u32 $0x1FFFFFF0, s23;
	s24 =	sadd.s32 s3, s17;
	s26 =	spop (v2sf)  }
0xca: {  	[tilespmem:s10], [sflag:$0x2] =	stream.linear.gather [hbm4b:s24+s1], $0x80, $0x38;
	[tilespmem:$0x10400] =	vst v63  }
0xcb: {  	s28 =	sadd.s32 s3, s25;
	s29 =	sand.u32 $0x1FFFFFF0, s26;
	s30 =	spop (v2sf)  }
0xcc: {  	[tilespmem:s13], [sflag:$0x2] =	stream.linear.gather [hbm4b:s28+s1], $0x80, $0x38;
	[tilespmem:$0x10400] =	vst v63  }
0xcd: {  	s15 =	sadd.s32 s3, s29;
	s17 =	sand.u32 $0x1FFFFFF0, s30;
	s23 =	spop (v2sf)  }
0xce: {  	[tilespmem:s7], [sflag:$0x2] =	stream.linear.gather [hbm4b:s15+s1], $0x80, $0x38;
	[tilespmem:$0x10400] =	vst v63  }
0xcf: {  	s24 =	sadd.s32 s3, s17;
	s25 =	sand.u32 $0x1FFFFFF0, s23;
	s26 =	spop (v2sf)  }
0xd0: {  	[tilespmem:s8], [sflag:$0x2] =	stream.linear.gather [hbm4b:s24+s1], $0x80, $0x38;
	[tilespmem:$0x10400] =	vst v63  }
0xd1: {  	s28 =	sadd.s32 s3, s25;
	s29 =	sand.u32 $0x1FFFFFF0, s26;
	s30 =	spop (v2sf)  }
0xd2: {  	[tilespmem:s9], [sflag:$0x2] =	stream.linear.gather [hbm4b:s28+s1], $0x80, $0x38;
	[tilespmem:$0x10400] =	vst v63  }
0xd3: {  	s6 =	sadd.s32 s3, s29;
	s7 =	sand.u32 $0x1FFFFFF0, s30;
	s8 =	spop (v2sf)  }
0xd4: {  	[tilespmem:s2], [sflag:$0x2] =	stream.linear.gather [hbm4b:s6+s1], $0x80, $0x38;
	[tilespmem:$0x10400] =	vst v63  }
0xd5: {  	s9 =	sadd.s32 s3, s7;
	s10 =	sand.u32 $0x1FFFFFF0, s8;
	s13 =	spop (v2sf)  }
0xd6: {  	[tilespmem:s22], [sflag:$0x2] =	stream.linear.gather [hbm4b:s9+s1], $0x80, $0x38;
	[tilespmem:$0x10400] =	vst v63  }
0xd7: {  	s15 =	sadd.s32 s3, s10;
	s17 =	sand.u32 $0x1FFFFFF0, s13;
	s22 =	spop (v2sf)  }
0xd8: {  	[tilespmem:s0], [sflag:$0x2] =	stream.linear.gather [hbm4b:s15+s1], $0x80, $0x38;
	[tilespmem:$0x10400] =	vst v63  }
0xd9: {  	s23 =	sadd.s32 $0x8B00, s21;
	s24 =	sadd.s32 s3, s17;
	s25 =	sand.u32 $0x1FFFFFF0, s22  }
0xda: {  	[tilespmem:s23], [sflag:$0x2] =	stream.linear.gather [hbm4b:s24+s1], $0x80, $0x38;
	[tilespmem:$0x10400] =	vst v63  }
0xdb: {  	s26 =	sadd.s32 $0x8B80, s21;
	s28 =	sadd.s32 s3, s25  }
0xdc: {  	[tilespmem:s26], [sflag:$0x2] =	stream.linear.gather [hbm4b:s28+s1], $0x80, $0x38;
	[tilespmem:$0x10400] =	vst v63  }
0xdd: {  	_ =	swait.ge [sflag:s14], $0x8000  }
0xde: {  	s31 =	simm.s32 $0x400;
	[sflag:s14] =	ssyncset.done $0x0  }
0xdf: {  	s29 =	simm.s32 $0x0;
	s30 =	rddreg [dreg:$0x6];
	[sflag:s14] =	ssyncadd.s32 $0xFFFF8000  }
0xe0: {  	[hbm4b:s30+s29] =	stream.linear.scatter [tilespmem:s31], [sflag:$0x5], $0x8000, $0x38;
	[tilespmem:$0x10400] =	vst v63  }
0xe1: {  	_ =	swait.ge [sflag:s12], $0x8000  }
0xe2: {  	[sflag:s12] =	ssyncset.done $0x0  }
0xe3: {  	s22 =	simm.s32 $0x200;
	[sflag:s12] =	ssyncadd.s32 $0xFFFF8000  }
0xe4: {  	v0 =	vld [tilespmem:s22+$0x0];
	_ =	sdelay $0x4  }
0xe5: {  	v0 =	vshll.u32 v0, $0x4  }
0xe6: {  	(v2sf) =	vpush v0, $0x0  }
0xe7: {  	(v2sf) =	vpush v0, $0x1  }
0xe8: {  	(v2sf) =	vpush v0, $0x2;
	_ =	sdelay $0x1  }
0xe9: {  	(v2sf) =	vpush v0, $0x4;
	_ =	sdelay $0x1  }
0xea: {  	(v2sf) =	vpush v0, $0x3  }
0xeb: {  	(v2sf) =	vpush v0, $0x5  }
0xec: {  	s21 =	simm.s32 $0x0;
	s23 =	simm.s32 $0x2000;
	(v2sf) =	vpush v0, $0x6  }
.LBB2_6:
0xed: {  	p0 =	sne.s32 s23, $0x1E000  }
0xee: {  	s5 =	sadd.s32 $0x480, s21;
	s28 =	sadd.s32 $0x980, s21;
	s24 =	smov.u32 s23  }
0xef: {  	s23 =	sadd.s32 $0x2000, s23;
	s30 =	sadd.s32 $0x780, s21;
	s25 =	sadd.s32 $0xA00, s21;
	(v2sf) =	vpush v0, $0x7  }
0xf0: {  	s13 =	sadd.s32 $0x680, s21;
	s0 =	sadd.s32 $0x800, s21;
	s26 =	sadd.s32 $0xA80, s21  }
0xf1: {  	s6 =	sadd.s32 $0x400, s21;
	s7 =	sadd.s32 $0x600, s21;
	(v2sf) =	vpush v0, $0x8  }
0xf2: {  	s8 =	sadd.s32 $0x700, s21;
	s22 =	sadd.s32 $0x10, s22  }
0xf3: {  	s9 =	sadd.s32 $0x500, s21;
	s29 =	sadd.s32 $0x900, s21;
	s2 =	spop (v2sf);
	(v2sf) =	vpush v0, $0x9  }
0xf4: {  	s10 =	sand.u32 $0x1FFFFFF0, s2;
	s2 =	sadd.s32 $0x880, s21;
	s15 =	spop (v2sf)  }
0xf5: {  	s10 =	sadd.s32 s4, s10;
	s15 =	sand.u32 $0x1FFFFFF0, s15;
	s17 =	spop (v2sf);
	(v2sf) =	vpush v0, $0xA  }
0xf6: {  	[tilespmem:s6], [sflag:$0x3] =	stream.linear.gather [hbm4b:s10+s1], $0x80, $0x38;
	[tilespmem:$0x10400] =	vst v63  }
0xf7: {  	s6 =	sadd.s32 s4, s15;
	s10 =	sadd.s32 $0x580, s21;
	s15 =	spop (v2sf);
	(v2sf) =	vpush v0, $0xB  }
0xf8: {  	[tilespmem:s5], [sflag:$0x3] =	stream.linear.gather [hbm4b:s6+s1], $0x80, $0x38;
	[tilespmem:$0x10400] =	vst v63  }
0xf9: {  	s5 =	sand.u32 $0x1FFFFFF0, s17;
	s6 =	sand.u32 $0x1FFFFFF0, s15;
	s15 =	spop (v2sf);
	(v2sf) =	vpush v0, $0xC  }
0xfa: {  	s5 =	sadd.s32 s4, s5;
	s15 =	sand.u32 $0x1FFFFFF0, s15;
	s17 =	spop (v2sf)  }
0xfb: {  	[tilespmem:s9], [sflag:$0x3] =	stream.linear.gather [hbm4b:s5+s1], $0x80, $0x38;
	(v2sf) =	vpush v0, $0xD;
	[tilespmem:$0x10400] =	vst v63  }
0xfc: {  	s5 =	sadd.s32 s4, s15;
	s9 =	sand.u32 $0x1FFFFFF0, s17;
	s15 =	spop (v2sf)  }
0xfd: {  	[tilespmem:s10], [sflag:$0x3] =	stream.linear.gather [hbm4b:s5+s1], $0x80, $0x38;
	(v2sf) =	vpush v0, $0xE;
	[tilespmem:$0x10400] =	vst v63  }
0xfe: {  	s5 =	sadd.s32 s4, s6;
	s6 =	sand.u32 $0x1FFFFFF0, s15;
	s10 =	spop (v2sf)  }
0xff: {  	[tilespmem:s7], [sflag:$0x3] =	stream.linear.gather [hbm4b:s5+s1], $0x80, $0x38;
	(v2sf) =	vpush v0, $0xF;
	[tilespmem:$0x10400] =	vst v63  }
0x100: {  	s5 =	sadd.s32 s4, s9;
	s7 =	sand.u32 $0x1FFFFFF0, s10;
	s9 =	spop (v2sf)  }
0x101: {  	[tilespmem:s13], [sflag:$0x3] =	stream.linear.gather [hbm4b:s5+s1], $0x80, $0x38;
	[tilespmem:$0x10400] =	vst v63  }
0x102: {  	s5 =	sadd.s32 s4, s6;
	s6 =	sand.u32 $0x1FFFFFF0, s9;
	s9 =	spop (v2sf)  }
0x103: {  	[tilespmem:s8], [sflag:$0x3] =	stream.linear.gather [hbm4b:s5+s1], $0x80, $0x38;
	[tilespmem:$0x10400] =	vst v63  }
0x104: {  	s5 =	sadd.s32 s4, s7;
	s7 =	sand.u32 $0x1FFFFFF0, s9;
	s8 =	spop (v2sf)  }
0x105: {  	[tilespmem:s30], [sflag:$0x3] =	stream.linear.gather [hbm4b:s5+s1], $0x80, $0x38;
	[tilespmem:$0x10400] =	vst v63  }
0x106: {  	s5 =	sadd.s32 s4, s6;
	s6 =	sand.u32 $0x1FFFFFF0, s8;
	s8 =	spop (v2sf)  }
0x107: {  	[tilespmem:s0], [sflag:$0x3] =	stream.linear.gather [hbm4b:s5+s1], $0x80, $0x38;
	[tilespmem:$0x10400] =	vst v63  }
0x108: {  	s0 =	sadd.s32 s4, s7;
	s5 =	sand.u32 $0x1FFFFFF0, s8;
	s7 =	spop (v2sf)  }
0x109: {  	[tilespmem:s2], [sflag:$0x3] =	stream.linear.gather [hbm4b:s0+s1], $0x80, $0x38;
	[tilespmem:$0x10400] =	vst v63  }
0x10a: {  	s0 =	sadd.s32 s4, s6;
	s2 =	sand.u32 $0x1FFFFFF0, s7;
	s6 =	spop (v2sf)  }
0x10b: {  	[tilespmem:s29], [sflag:$0x3] =	stream.linear.gather [hbm4b:s0+s1], $0x80, $0x38;
	[tilespmem:$0x10400] =	vst v63  }
0x10c: {  	s0 =	sadd.s32 s4, s5;
	s5 =	sand.u32 $0x1FFFFFF0, s6;
	s6 =	spop (v2sf)  }
0x10d: {  	[tilespmem:s28], [sflag:$0x3] =	stream.linear.gather [hbm4b:s0+s1], $0x80, $0x38;
	[tilespmem:$0x10400] =	vst v63  }
0x10e: {  	s0 =	sadd.s32 s4, s2;
	s2 =	sand.u32 $0x1FFFFFF0, s6;
	s6 =	spop (v2sf)  }
0x10f: {  	[tilespmem:s25], [sflag:$0x3] =	stream.linear.gather [hbm4b:s0+s1], $0x80, $0x38;
	[tilespmem:$0x10400] =	vst v63  }
0x110: {  	s0 =	sadd.s32 s4, s5;
	s5 =	sand.u32 $0x1FFFFFF0, s6  }
0x111: {  	[tilespmem:s26], [sflag:$0x3] =	stream.linear.gather [hbm4b:s0+s1], $0x80, $0x38;
	[tilespmem:$0x10400] =	vst v63  }
0x112: {  	s2 =	sadd.s32 s4, s2;
	s0 =	sadd.s32 $0xB00, s21  }
0x113: {  	[tilespmem:s0], [sflag:$0x3] =	stream.linear.gather [hbm4b:s2+s1], $0x80, $0x38;
	[tilespmem:$0x10400] =	vst v63  }
0x114: {  	s0 =	sadd.s32 $0xB80, s21;
	s2 =	sadd.s32 s4, s5  }
0x115: {  	[tilespmem:s0], [sflag:$0x3] =	stream.linear.gather [hbm4b:s2+s1], $0x80, $0x38;
	[tilespmem:$0x10400] =	vst v63  }
0x116: {  	v0 =	vld [tilespmem:s22+$0x0];
	_ =	sdelay $0x4  }
0x117: {  	v0 =	vshll.u32 v0, $0x4  }
0x118: {  	(v2sf) =	vpush v0, $0x0  }
0x119: {  	(v2sf) =	vpush v0, $0x1  }
0x11a: {  	(v2sf) =	vpush v0, $0x2;
	_ =	sdelay $0x1  }
0x11b: {  	(v2sf) =	vpush v0, $0x4  }
.Ltmp2:
0x11c: {  	(pc) =	sbr.rel @p0 .LBB2_6-.Ltmp2, $3  }
0x11d: {  	(v2sf) =	vpush v0, $0x3  }
0x11e: {  	(v2sf) =	vpush v0, $0x5;
	_ =	sdelay $0x1  }
0x11f: {  	s21 =	sshra.s32 s24, $0x2;
	(v2sf) =	vpush v0, $0x6  }
0x120: {  	_ =	sdelay $0x1  }
0x121: {  	s2 =	sadd.s32 $0x480, s21;
	s23 =	sadd.s32 $0x980, s21  }
0x122: {  	s5 =	sadd.s32 $0x780, s21;
	s0 =	sadd.s32 $0xA00, s21;
	(v2sf) =	vpush v0, $0x7;
	s6 =	sadd.s32 $0x680, s21  }
0x123: {  	s7 =	sadd.s32 $0x800, s21;
	s22 =	sadd.s32 $0xA80, s21;
	s8 =	sadd.s32 $0x400, s21  }
0x124: {  	s9 =	sadd.s32 $0x600, s21;
	s10 =	sadd.s32 $0x700, s21;
	(v2sf) =	vpush v0, $0x8;
	s13 =	spop (v2sf)  }
0x125: {  	s15 =	sadd.s32 $0x500, s21;
	s13 =	sand.u32 $0x1FFFFFF0, s13;
	s17 =	spop (v2sf)  }
0x126: {  	(v2sf) =	vpush v0, $0x9;
	s13 =	sadd.s32 s4, s13;
	s17 =	sand.u32 $0x1FFFFFF0, s17;
	s24 =	spop (v2sf)  }
0x127: {  	[tilespmem:s8], [sflag:$0x3] =	stream.linear.gather [hbm4b:s13+s1], $0x80, $0x38;
	[tilespmem:$0x10400] =	vst v63  }
0x128: {  	s25 =	sadd.s32 $0x580, s21;
	(v2sf) =	vpush v0, $0xA;
	s29 =	sadd.s32 s4, s17;
	s30 =	spop (v2sf)  }
0x129: {  	[tilespmem:s2], [sflag:$0x3] =	stream.linear.gather [hbm4b:s29+s1], $0x80, $0x38;
	[tilespmem:$0x10400] =	vst v63  }
0x12a: {  	s8 =	sadd.s32 $0x900, s21;
	s26 =	sand.u32 $0x1FFFFFF0, s24;
	(v2sf) =	vpush v0, $0xB;
	s28 =	spop (v2sf)  }
0x12b: {  	s13 =	sadd.s32 s4, s26;
	s2 =	sadd.s32 $0x880, s21;
	s24 =	sand.u32 $0x1FFFFFF0, s28  }
0x12c: {  	(v2sf) =	vpush v0, $0xC;
	[tilespmem:s15], [sflag:$0x3] =	stream.linear.gather [hbm4b:s13+s1], $0x80, $0x38;
	[tilespmem:$0x10400] =	vst v63  }
0x12d: {  	s29 =	sand.u32 $0x1FFFFFF0, s30;
	s30 =	spop (v2sf);
	s26 =	sadd.s32 s4, s24  }
0x12e: {  	(v2sf) =	vpush v0, $0xD;
	[tilespmem:s25], [sflag:$0x3] =	stream.linear.gather [hbm4b:s26+s1], $0x80, $0x38;
	[tilespmem:$0x10400] =	vst v63  }
0x12f: {  	s13 =	sadd.s32 s4, s29;
	s15 =	sand.u32 $0x1FFFFFF0, s30;
	s28 =	spop (v2sf)  }
0x130: {  	(v2sf) =	vpush v0, $0xE;
	[tilespmem:s9], [sflag:$0x3] =	stream.linear.gather [hbm4b:s13+s1], $0x80, $0x38;
	[tilespmem:$0x10400] =	vst v63  }
0x131: {  	s15 =	sadd.s32 s4, s15;
	s29 =	sand.u32 $0x1FFFFFF0, s28;
	s30 =	spop (v2sf)  }
0x132: {  	(v2sf) =	vpush v0, $0xF;
	[tilespmem:s6], [sflag:$0x3] =	stream.linear.gather [hbm4b:s15+s1], $0x80, $0x38;
	[tilespmem:$0x10400] =	vst v63  }
0x133: {  	s17 =	sand.u32 $0x1FFFFFF0, s30;
	s24 =	spop (v2sf);
	s9 =	sadd.s32 s4, s29  }
0x134: {  	[tilespmem:s10], [sflag:$0x3] =	stream.linear.gather [hbm4b:s9+s1], $0x80, $0x38;
	[tilespmem:$0x10400] =	vst v63  }
0x135: {  	s25 =	sand.u32 $0x1FFFFFF0, s24;
	s6 =	sadd.s32 s4, s17;
	s26 =	spop (v2sf)  }
0x136: {  	[tilespmem:s5], [sflag:$0x3] =	stream.linear.gather [hbm4b:s6+s1], $0x80, $0x38;
	[tilespmem:$0x10400] =	vst v63  }
0x137: {  	s9 =	sadd.s32 s4, s25;
	s28 =	sand.u32 $0x1FFFFFF0, s26;
	s29 =	spop (v2sf)  }
0x138: {  	[tilespmem:s7], [sflag:$0x3] =	stream.linear.gather [hbm4b:s9+s1], $0x80, $0x38;
	[tilespmem:$0x10400] =	vst v63  }
0x139: {  	s6 =	sand.u32 $0x1FFFFFF0, s29;
	s5 =	sadd.s32 s4, s28;
	s30 =	spop (v2sf)  }
0x13a: {  	[tilespmem:s2], [sflag:$0x3] =	stream.linear.gather [hbm4b:s5+s1], $0x80, $0x38;
	[tilespmem:$0x10400] =	vst v63  }
0x13b: {  	s6 =	sadd.s32 s4, s6;
	s7 =	sand.u32 $0x1FFFFFF0, s30;
	s9 =	spop (v2sf)  }
0x13c: {  	[tilespmem:s8], [sflag:$0x3] =	stream.linear.gather [hbm4b:s6+s1], $0x80, $0x38;
	[tilespmem:$0x10400] =	vst v63  }
0x13d: {  	s2 =	sadd.s32 s4, s7;
	s5 =	sand.u32 $0x1FFFFFF0, s9;
	s10 =	spop (v2sf)  }
0x13e: {  	[tilespmem:s23], [sflag:$0x3] =	stream.linear.gather [hbm4b:s2+s1], $0x80, $0x38;
	[tilespmem:$0x10400] =	vst v63  }
0x13f: {  	s13 =	sand.u32 $0x1FFFFFF0, s10;
	s5 =	sadd.s32 s4, s5;
	s15 =	spop (v2sf)  }
0x140: {  	[tilespmem:s0], [sflag:$0x3] =	stream.linear.gather [hbm4b:s5+s1], $0x80, $0x38;
	[tilespmem:$0x10400] =	vst v63  }
0x141: {  	s17 =	sand.u32 $0x1FFFFFF0, s15;
	s23 =	spop (v2sf);
	s2 =	sadd.s32 s4, s13  }
0x142: {  	[tilespmem:s22], [sflag:$0x3] =	stream.linear.gather [hbm4b:s2+s1], $0x80, $0x38;
	[tilespmem:$0x10400] =	vst v63  }
0x143: {  	s25 =	sadd.s32 $0xB00, s21;
	s24 =	sand.u32 $0x1FFFFFF0, s23;
	s0 =	sadd.s32 s4, s17  }
0x144: {  	[tilespmem:s25], [sflag:$0x3] =	stream.linear.gather [hbm4b:s0+s1], $0x80, $0x38;
	[tilespmem:$0x10400] =	vst v63  }
0x145: {  	s26 =	sadd.s32 $0xB80, s21;
	s2 =	sadd.s32 s4, s24  }
0x146: {  	[tilespmem:s26], [sflag:$0x3] =	stream.linear.gather [hbm4b:s2+s1], $0x80, $0x38;
	[tilespmem:$0x10400] =	vst v63  }
0x147: {  	_ =	swait.ge [sflag:s16], $0x8000  }
0x148: {  	s21 =	simm.s32 $0x0;
	[sflag:s16] =	ssyncset.done $0x0  }
0x149: {  	s29 =	simm.s32 $0x8400;
	s28 =	rddreg [dreg:$0x7];
	[sflag:s16] =	ssyncadd.s32 $0xFFFF8000  }
0x14a: {  	[hbm4b:s28+s21] =	stream.linear.scatter [tilespmem:s29], [sflag:$0x5], $0x8000, $0x38;
	[tilespmem:$0x10400] =	vst v63  }
0x14b: {  	_ =	swait.ge [sflag:s12], $0x8000  }
0x14c: {  	[sflag:s12] =	ssyncset.done $0x0  }
0x14d: {  	s30 =	sand.u32 $0xF0, s21;
	[sflag:s12] =	ssyncadd.s32 $0xFFFF8000  }
0x14e: {  	v0 =	vld [tilespmem:s30+$0x300];
	_ =	sdelay $0x4  }
0x14f: {  	v0 =	vshll.u32 v0, $0x4  }
0x150: {  	(v2sf) =	vpush v0, $0x0  }
0x151: {  	(v2sf) =	vpush v0, $0x2  }
0x152: {  	(v2sf) =	vpush v0, $0x1;
	_ =	sdelay $0x1  }
0x153: {  	(v2sf) =	vpush v0, $0x3  }
0x154: {  	(v2sf) =	vpush v0, $0x4;
	_ =	sdelay $0x2  }
0x155: {  	s23 =	simm.s32 $0x10;
	s22 =	simm.s32 $0x2000  }
.LBB2_8:
0x156: {  	p0 =	sne.s32 s22, $0x1E000;
	(v2sf) =	vpush v0, $0x5;
	s0 =	smov.u32 s22;
	s22 =	sadd.s32 $0x2000, s22  }
0x157: {  	s24 =	sshra.s32 s21, $0x2;
	s21 =	smov.u32 s0  }
0x158: {  	s5 =	sadd.s32 $0x8480, s24;
	(v2sf) =	vpush v0, $0x6  }
0x159: {  	s6 =	sadd.s32 $0x8400, s24  }
0x15a: {  	s28 =	sadd.s32 $0x8980, s24;
	s26 =	sadd.s32 $0x8A00, s24;
	s25 =	sadd.s32 $0x8A80, s24;
	(v2sf) =	vpush v0, $0x7  }
0x15b: {  	s30 =	sadd.s32 $0x8800, s24;
	s0 =	sadd.s32 $0x8880, s24;
	s29 =	sadd.s32 $0x8900, s24  }
0x15c: {  	s7 =	sadd.s32 $0x8700, s24;
	s2 =	sadd.s32 $0x8780, s24;
	s8 =	spop (v2sf);
	(v2sf) =	vpush v0, $0x8  }
0x15d: {  	s9 =	sadd.s32 $0x8500, s24;
	s8 =	sand.u32 $0x1FFFFFF0, s8;
	s10 =	spop (v2sf)  }
0x15e: {  	s13 =	sadd.s32 $0x8680, s24;
	s8 =	sadd.s32 s4, s8;
	s15 =	spop (v2sf);
	(v2sf) =	vpush v0, $0x9  }
0x15f: {  	[tilespmem:s6], [sflag:$0x4] =	stream.linear.gather [hbm4b:s8+s1], $0x80, $0x38;
	[tilespmem:$0x10400] =	vst v63  }
0x160: {  	s6 =	sand.u32 $0x1FFFFFF0, s15;
	s8 =	sand.u32 $0x1FFFFFF0, s10;
	s10 =	spop (v2sf);
	(v2sf) =	vpush v0, $0xA  }
0x161: {  	s15 =	sadd.s32 $0x8600, s24;
	s6 =	sadd.s32 s4, s6;
	s17 =	spop (v2sf)  }
0x162: {  	[tilespmem:s5], [sflag:$0x4] =	stream.linear.gather [hbm4b:s6+s1], $0x80, $0x38;
	(v2sf) =	vpush v0, $0xB;
	[tilespmem:$0x10400] =	vst v63  }
0x163: {  	s5 =	sadd.s32 s4, s8;
	s6 =	sand.u32 $0x1FFFFFF0, s10;
	s8 =	sand.u32 $0x1FFFFFF0, s17  }
0x164: {  	[tilespmem:s9], [sflag:$0x4] =	stream.linear.gather [hbm4b:s5+s1], $0x80, $0x38;
	(v2sf) =	vpush v0, $0xC;
	[tilespmem:$0x10400] =	vst v63  }
0x165: {  	s6 =	sadd.s32 s4, s6;
	s5 =	sadd.s32 $0x8580, s24;
	s9 =	spop (v2sf)  }
0x166: {  	[tilespmem:s5], [sflag:$0x4] =	stream.linear.gather [hbm4b:s6+s1], $0x80, $0x38;
	(v2sf) =	vpush v0, $0xD;
	[tilespmem:$0x10400] =	vst v63  }
0x167: {  	s5 =	sadd.s32 s4, s8;
	s6 =	sand.u32 $0x1FFFFFF0, s9;
	s8 =	spop (v2sf)  }
0x168: {  	[tilespmem:s15], [sflag:$0x4] =	stream.linear.gather [hbm4b:s5+s1], $0x80, $0x38;
	(v2sf) =	vpush v0, $0xE;
	[tilespmem:$0x10400] =	vst v63  }
0x169: {  	s5 =	sadd.s32 s4, s6;
	s6 =	sand.u32 $0x1FFFFFF0, s8;
	s8 =	spop (v2sf)  }
0x16a: {  	[tilespmem:s13], [sflag:$0x4] =	stream.linear.gather [hbm4b:s5+s1], $0x80, $0x38;
	(v2sf) =	vpush v0, $0xF;
	[tilespmem:$0x10400] =	vst v63  }
0x16b: {  	s5 =	sadd.s32 s4, s6;
	s6 =	sand.u32 $0x1FFFFFF0, s8;
	s8 =	spop (v2sf)  }
0x16c: {  	[tilespmem:s7], [sflag:$0x4] =	stream.linear.gather [hbm4b:s5+s1], $0x80, $0x38;
	[tilespmem:$0x10400] =	vst v63  }
0x16d: {  	s5 =	sadd.s32 s4, s6;
	s6 =	sand.u32 $0x1FFFFFF0, s8;
	s7 =	spop (v2sf)  }
0x16e: {  	[tilespmem:s2], [sflag:$0x4] =	stream.linear.gather [hbm4b:s5+s1], $0x80, $0x38;
	[tilespmem:$0x10400] =	vst v63  }
0x16f: {  	s2 =	sadd.s32 s4, s6;
	s5 =	sand.u32 $0x1FFFFFF0, s7;
	s6 =	spop (v2sf)  }
0x170: {  	[tilespmem:s30], [sflag:$0x4] =	stream.linear.gather [hbm4b:s2+s1], $0x80, $0x38;
	[tilespmem:$0x10400] =	vst v63  }
0x171: {  	s2 =	sadd.s32 s4, s5;
	s5 =	sand.u32 $0x1FFFFFF0, s6;
	s6 =	spop (v2sf)  }
0x172: {  	[tilespmem:s0], [sflag:$0x4] =	stream.linear.gather [hbm4b:s2+s1], $0x80, $0x38;
	[tilespmem:$0x10400] =	vst v63  }
0x173: {  	s0 =	sadd.s32 s4, s5;
	s2 =	sand.u32 $0x1FFFFFF0, s6;
	s5 =	spop (v2sf)  }
0x174: {  	[tilespmem:s29], [sflag:$0x4] =	stream.linear.gather [hbm4b:s0+s1], $0x80, $0x38;
	[tilespmem:$0x10400] =	vst v63  }
0x175: {  	s0 =	sadd.s32 s4, s2;
	s2 =	sand.u32 $0x1FFFFFF0, s5;
	s5 =	spop (v2sf)  }
0x176: {  	[tilespmem:s28], [sflag:$0x4] =	stream.linear.gather [hbm4b:s0+s1], $0x80, $0x38;
	[tilespmem:$0x10400] =	vst v63  }
0x177: {  	s0 =	sadd.s32 s4, s2;
	s2 =	sand.u32 $0x1FFFFFF0, s5;
	s5 =	spop (v2sf)  }
0x178: {  	[tilespmem:s26], [sflag:$0x4] =	stream.linear.gather [hbm4b:s0+s1], $0x80, $0x38;
	[tilespmem:$0x10400] =	vst v63  }
0x179: {  	s0 =	sadd.s32 s4, s2;
	s2 =	sand.u32 $0x1FFFFFF0, s5;
	s5 =	spop (v2sf)  }
0x17a: {  	[tilespmem:s25], [sflag:$0x4] =	stream.linear.gather [hbm4b:s0+s1], $0x80, $0x38;
	[tilespmem:$0x10400] =	vst v63  }
0x17b: {  	s2 =	sadd.s32 s4, s2;
	s0 =	sadd.s32 $0x8B00, s24;
	s5 =	sand.u32 $0x1FFFFFF0, s5  }
0x17c: {  	[tilespmem:s0], [sflag:$0x4] =	stream.linear.gather [hbm4b:s2+s1], $0x80, $0x38;
	[tilespmem:$0x10400] =	vst v63  }
0x17d: {  	s5 =	sadd.s32 s4, s5;
	s0 =	sand.u32 $0xF0, s23;
	s2 =	sadd.s32 $0x8B80, s24  }
0x17e: {  	[tilespmem:s2], [sflag:$0x4] =	stream.linear.gather [hbm4b:s5+s1], $0x80, $0x38;
	[tilespmem:$0x10400] =	vst v63  }
0x17f: {  	v0 =	vld [tilespmem:s0+$0x300];
	_ =	sdelay $0x4  }
0x180: {  	v0 =	vshll.u32 v0, $0x4  }
0x181: {  	(v2sf) =	vpush v0, $0x0  }
0x182: {  	(v2sf) =	vpush v0, $0x2  }
0x183: {  	(v2sf) =	vpush v0, $0x1;
	_ =	sdelay $0x1  }
.Ltmp3:
0x184: {  	(v2sf) =	vpush v0, $0x3;
	(pc) =	sbr.rel @p0 .LBB2_8-.Ltmp3, $2  }
0x185: {  	(v2sf) =	vpush v0, $0x4;
	_ =	sdelay $0x2  }
0x186: {  	s23 =	sadd.s32 $0x10, s23  }
0x187: {  	_ =	sdelay $0x5  }
0x188: {  	s0 =	spop (v2sf)  }
0x189: {  	s5 =	spop (v2sf);
	(v2sf) =	vpush v0, $0x5;
	_ =	sdelay $0x1  }
0x18a: {  	s8 =	spop (v2sf);
	(v2sf) =	vpush v0, $0x6;
	_ =	sdelay $0x2  }
0x18b: {  	s15 =	spop (v2sf);
	(v2sf) =	vpush v0, $0x7  }
0x18c: {  	s21 =	sshra.s32 s21, $0x2;
	s0 =	sand.u32 $0x1FFFFFF0, s0  }
0x18d: {  	s2 =	sadd.s32 $0x8400, s21;
	s0 =	sadd.s32 s4, s0  }
0x18e: {  	[tilespmem:s2], [sflag:$0x4] =	stream.linear.gather [hbm4b:s0+s1], $0x80, $0x38;
	[tilespmem:$0x10400] =	vst v63  }
0x18f: {  	s0 =	sand.u32 $0x1FFFFFF0, s8;
	s22 =	spop (v2sf);
	(v2sf) =	vpush v0, $0x8  }
0x190: {  	s9 =	sadd.s32 $0x8480, s21;
	s10 =	sand.u32 $0x1FFFFFF0, s5;
	s0 =	sadd.s32 s4, s0  }
0x191: {  	[tilespmem:s9], [sflag:$0x4] =	stream.linear.gather [hbm4b:s0+s1], $0x80, $0x38;
	[tilespmem:$0x10400] =	vst v63  }
0x192: {  	s13 =	sadd.s32 $0x8500, s21;
	s0 =	sadd.s32 s4, s10  }
0x193: {  	[tilespmem:s13], [sflag:$0x4] =	stream.linear.gather [hbm4b:s0+s1], $0x80, $0x38;
	[tilespmem:$0x10400] =	vst v63  }
0x194: {  	s0 =	sand.u32 $0x1FFFFFF0, s15  }
0x195: {  	s17 =	sadd.s32 $0x8580, s21;
	s0 =	sadd.s32 s4, s0;
	s24 =	spop (v2sf);
	(v2sf) =	vpush v0, $0x9  }
0x196: {  	[tilespmem:s17], [sflag:$0x4] =	stream.linear.gather [hbm4b:s0+s1], $0x80, $0x38;
	[tilespmem:$0x10400] =	vst v63  }
0x197: {  	s0 =	sand.u32 $0x1FFFFFF0, s22;
	s26 =	spop (v2sf);
	(v2sf) =	vpush v0, $0xA  }
0x198: {  	s23 =	sadd.s32 $0x8600, s21;
	s0 =	sadd.s32 s4, s0  }
0x199: {  	[tilespmem:s23], [sflag:$0x4] =	stream.linear.gather [hbm4b:s0+s1], $0x80, $0x38;
	[tilespmem:$0x10400] =	vst v63  }
0x19a: {  	s0 =	sand.u32 $0x1FFFFFF0, s24;
	s29 =	spop (v2sf);
	(v2sf) =	vpush v0, $0xB  }
0x19b: {  	s25 =	sadd.s32 $0x8680, s21;
	s0 =	sadd.s32 s4, s0  }
0x19c: {  	[tilespmem:s25], [sflag:$0x4] =	stream.linear.gather [hbm4b:s0+s1], $0x80, $0x38;
	[tilespmem:$0x10400] =	vst v63  }
0x19d: {  	s0 =	sand.u32 $0x1FFFFFF0, s26  }
0x19e: {  	s28 =	sadd.s32 $0x8700, s21;
	s0 =	sadd.s32 s4, s0;
	s2 =	spop (v2sf)  }
0x19f: {  	(v2sf) =	vpush v0, $0xC;
	[tilespmem:s28], [sflag:$0x4] =	stream.linear.gather [hbm4b:s0+s1], $0x80, $0x38;
	[tilespmem:$0x10400] =	vst v63  }
0x1a0: {  	s0 =	sand.u32 $0x1FFFFFF0, s29  }
0x1a1: {  	s30 =	sadd.s32 $0x8780, s21;
	s0 =	sadd.s32 s4, s0  }
0x1a2: {  	[tilespmem:s30], [sflag:$0x4] =	stream.linear.gather [hbm4b:s0+s1], $0x80, $0x38;
	[tilespmem:$0x10400] =	vst v63  }
0x1a3: {  	s0 =	sand.u32 $0x1FFFFFF0, s2  }
0x1a4: {  	s5 =	sadd.s32 $0x8800, s21;
	s0 =	sadd.s32 s4, s0;
	s6 =	spop (v2sf);
	(v2sf) =	vpush v0, $0xD  }
0x1a5: {  	[tilespmem:s5], [sflag:$0x4] =	stream.linear.gather [hbm4b:s0+s1], $0x80, $0x38;
	[tilespmem:$0x10400] =	vst v63  }
0x1a6: {  	s0 =	sand.u32 $0x1FFFFFF0, s6;
	s8 =	spop (v2sf);
	(v2sf) =	vpush v0, $0xE  }
0x1a7: {  	s7 =	sadd.s32 $0x8880, s21;
	s0 =	sadd.s32 s4, s0  }
0x1a8: {  	[tilespmem:s7], [sflag:$0x4] =	stream.linear.gather [hbm4b:s0+s1], $0x80, $0x38;
	[tilespmem:$0x10400] =	vst v63  }
0x1a9: {  	s10 =	spop (v2sf);
	(v2sf) =	vpush v0, $0xF  }
0x1aa: {  	s0 =	sand.u32 $0x1FFFFFF0, s8  }
0x1ab: {  	s9 =	sadd.s32 $0x8900, s21;
	s0 =	sadd.s32 s4, s0  }
0x1ac: {  	[tilespmem:s9], [sflag:$0x4] =	stream.linear.gather [hbm4b:s0+s1], $0x80, $0x38;
	[tilespmem:$0x10400] =	vst v63  }
0x1ad: {  	s0 =	sand.u32 $0x1FFFFFF0, s10  }
0x1ae: {  	s13 =	sadd.s32 $0x8980, s21;
	s15 =	spop (v2sf);
	s0 =	sadd.s32 s4, s0  }
0x1af: {  	[tilespmem:s13], [sflag:$0x4] =	stream.linear.gather [hbm4b:s0+s1], $0x80, $0x38;
	[tilespmem:$0x10400] =	vst v63  }
0x1b0: {  	s0 =	sand.u32 $0x1FFFFFF0, s15  }
0x1b1: {  	s17 =	sadd.s32 $0x8A00, s21;
	s0 =	sadd.s32 s4, s0  }
0x1b2: {  	[tilespmem:s17], [sflag:$0x4] =	stream.linear.gather [hbm4b:s0+s1], $0x80, $0x38;
	[tilespmem:$0x10400] =	vst v63  }
0x1b3: {  	s22 =	spop (v2sf)  }
0x1b4: {  	s0 =	sand.u32 $0x1FFFFFF0, s22  }
0x1b5: {  	s23 =	sadd.s32 $0x8A80, s21;
	s24 =	spop (v2sf);
	s0 =	sadd.s32 s4, s0  }
0x1b6: {  	[tilespmem:s23], [sflag:$0x4] =	stream.linear.gather [hbm4b:s0+s1], $0x80, $0x38;
	[tilespmem:$0x10400] =	vst v63  }
0x1b7: {  	s0 =	sand.u32 $0x1FFFFFF0, s24  }
0x1b8: {  	s25 =	sadd.s32 $0x8B00, s21;
	s26 =	spop (v2sf);
	s0 =	sadd.s32 s4, s0  }
0x1b9: {  	[tilespmem:s25], [sflag:$0x4] =	stream.linear.gather [hbm4b:s0+s1], $0x80, $0x38;
	[tilespmem:$0x10400] =	vst v63  }
0x1ba: {  	s0 =	sand.u32 $0x1FFFFFF0, s26  }
0x1bb: {  	s28 =	sadd.s32 $0x8B80, s21;
	s0 =	sadd.s32 s4, s0  }
0x1bc: {  	[tilespmem:s28], [sflag:$0x4] =	stream.linear.gather [hbm4b:s0+s1], $0x80, $0x38;
	[tilespmem:$0x10400] =	vst v63  }
0x1bd: {  	_ =	swait.ge [sflag:s18], $0x8000  }
0x1be: {  	[sflag:s18] =	ssyncset.done $0x0  }
0x1bf: {  	s29 =	rddreg [dreg:$0x8];
	[sflag:s18] =	ssyncadd.s32 $0xFFFF8000  }
0x1c0: {  	[hbm4b:s29+s1] =	stream.linear.scatter [tilespmem:s31], [sflag:$0x5], $0x8000, $0x38;
	[tilespmem:$0x10400] =	vst v63  }
0x1c1: {  	_ =	swait.ge [sflag:s12], $0x8000  }
0x1c2: {  	[sflag:s12] =	ssyncset.done $0x0  }
0x1c3: {  	[sflag:s12] =	ssyncadd.s32 $0xFFFF8000  }
0x1c4: {  	s20 =	sadd.s32 $0x1, s20;
	_ =	swait.ge [sflag:s19], $0x8000  }
0x1c5: {  	p0 =	sne.s32 s20, s11;
	s31 =	simm.s32 $0x8400;
	[sflag:s19] =	ssyncset.done $0x0  }
.Ltmp4:
0x1c6: {  	s30 =	rddreg [dreg:$0x9];
	[sflag:s19] =	ssyncadd.s32 $0xFFFF8000;
	(pc) =	sbr.rel @p0 .LBB2_1-.Ltmp4, $4  }
0x1c7: {  	[hbm4b:s30+s1] =	stream.linear.scatter [tilespmem:s31], [sflag:$0x5], $0x8000, $0x38;
	[tilespmem:$0x10400] =	vst v63  }
0x1c8: {  	_ =	swait.ge [sflag:s12], $0x8000  }
0x1c9: {  	[sflag:s12] =	ssyncset.done $0x0  }
0x1ca: {  	[sflag:s12] =	ssyncadd.s32 $0xFFFF8000  }
0x1cb: {  	_ =	sfence.sel $0x180000  }
0x1cc: {  	[bflag:$0x0] =	sbarrier.arrive $0xFFFF  }
0x1cd: {  	_ =	strace $0x90000047  }
0x1ce: {  	s0 =	stileid.u32;
	[bflag:$0x2] =	sbarrier.arrive $0xFFFF  }
0x1cf: {  	p0 =	sne.s32 s0, $0x0;
	s0 =	rddreg [dreg:$0x3]  }
0x1d0: {  	s0 =	sadd.s32 @!p0 $0x100000, s0  }
0x1d1: {  	[sflag:s0] =	ssyncadd.tile.s32 @!p0 $0x1;
	_ =	shalt  }
.Lfunc_end2:
_tile_overlayer_lowered:
.L_overlay_start_2:
0x1d2: {  	(tag) =	ssettag $0x2  }
0x1d3: {  	s0 =	rddreg [dreg:$0x0];
	s2 =	stileid.u32  }
0x1d4: {  	s1 =	rddreg [dreg:$0x1];
	p0 =	sne.s32 s2, $0x0  }
0x1d5: {  	s3 =	rddreg [dreg:$0x2];
	[bflag:$0x3] =	sbarrier.arrive $0xFFFF;
	s2 =	simm.s32 @!p0 $0x1C05  }
0x1d6: {  	[timem:s3], [sflag:s2] =	dma.local @!p0 [hbm:s0], s1  }
0x1d7: {  	s0 =	simm.s32 @!p0 $0x5  }
0x1d8: {  	_ =	swait.ge @!p0 [sflag:s0], s1  }
0x1d9: {  	s1 =	ssub.s32 @!p0 $0x0, s1;
	[sflag:s0] =	ssyncset.done @!p0 $0x0  }
0x1da: {  	[sflag:s0] =	ssyncadd.s32 @!p0 s1  }
0x1db: {  	[bflag:$0x3] =	sbarrier.arrive $0xFFFF  }
0x1dc: {  	_ =	shalt  }

</sc_bundles>
